<compile_context>
chip_gen: v7x
topology: tpu7x:2x2x1
jax: 0.10.2.dev20260603
libtpu: 0.0.44.dev20260713+nightly
codegen_flags: <defaults>
</compile_context>

<pallas_src>
import functools

import jax
import jax.numpy as jnp
from jax import lax
from jax.experimental import pallas as pl
from jax.experimental.pallas import tpu as pltpu
from jax.experimental.pallas import tpu_sc as plsc

NC = 2
NS = 16
D = 8


def _edge_pass(table, src, dst, zeros):
    N, _ = table.shape
    E = src.shape[0]
    NW = NC * NS
    ew = E // NW
    K = 2000
    NB = 4
    nchunk = ew // K
    rpt = N // NS

    mesh = plsc.VectorSubcoreMesh(core_axis_name="c", subcore_axis_name="s")

    @functools.partial(
        pl.kernel,
        out_type=jax.ShapeDtypeStruct((NC, N, D), jnp.float32),
        mesh=mesh,
        scratch_types=(
            [pltpu.VMEM_SHARED((N, D), jnp.float32)]
            + [pltpu.VMEM((K,), jnp.int32) for _ in range(2 * NB)]
            + [pltpu.VMEM((K, D), jnp.float32) for _ in range(NB)]
            + [pltpu.SemaphoreType.DMA for _ in range(2 * NB)]
        ),
        compiler_params=pltpu.CompilerParams(use_tc_tiling_on_sc=False),
    )
    def k(table_h, src_h, dst_h, zeros_h, out_h, acc, *bufs):
        isrc = bufs[0:NB]
        idst = bufs[NB:2 * NB]
        rows = bufs[2 * NB:3 * NB]
        sem_g = bufs[3 * NB:4 * NB]
        sem_s = bufs[4 * NB:5 * NB]
        c = lax.axis_index("c")
        s = lax.axis_index("s")
        wid = s * NC + c
        pltpu.sync_copy(zeros_h, acc.at[pl.ds(s * rpt, rpt)])
        plsc.subcore_barrier()
        base = wid * ew

        def load_idx(i, b):
            off = base + i * K
            pltpu.sync_copy(src_h.at[pl.ds(off, K)], isrc[b])
            pltpu.sync_copy(dst_h.at[pl.ds(off, K)], idst[b])

        def start_gather(b):
            pltpu.async_copy(table_h.at[isrc[b]], rows[b], sem_g[b])

        def wait_gather(b):
            pltpu.make_async_copy(table_h.at[isrc[b]], rows[b],
                                  sem_g[b]).wait()

        def start_scatter(b):
            pltpu.async_copy(rows[b], acc.at[idst[b]], sem_s[b], add=True)

        def wait_scatter(b):
            pltpu.make_async_copy(rows[b], acc.at[idst[b]],
                                  sem_s[b]).wait()

        load_idx(0, 0)
        start_gather(0)
        load_idx(1, 1)
        start_gather(1)

        def body(g, carry):
            for b in range(NB):
                i = g * NB + b
                nb = (b + 2) % NB
                wait_gather(b)
                start_scatter(b)

                @pl.when(i >= 2)
                def _():
                    wait_scatter(nb)

                @pl.when(i + 2 < nchunk)
                def _():
                    load_idx(i + 2, nb)
                    start_gather(nb)
            return carry

        lax.fori_loop(0, nchunk // NB, body, 0)
        for i in range((nchunk // NB) * NB, nchunk):
            b = i % NB
            nb = (i + 2) % NB
            wait_gather(b)
            start_scatter(b)
            if i >= 2:
                wait_scatter(nb)
            if i + 2 < nchunk:
                load_idx(i + 2, nb)
                start_gather(nb)
        wait_scatter((nchunk - 2) % NB)
        wait_scatter((nchunk - 1) % NB)
        plsc.subcore_barrier()
        pltpu.sync_copy(acc.at[pl.ds(s * rpt, rpt)],
                        out_h.at[c, pl.ds(s * rpt, rpt)])

    return k(table, src, dst, zeros)


def _dense1(p1b, xab, M1, M2, P):
    Nr = xab.shape[0]

    def body(p_ref, xa_ref, m1, m2, pm, h_ref, ci_ref):
        s = p_ref[0] + p_ref[1]
        cnt_b = jnp.dot(s, pm[...], preferred_element_type=jnp.float32)
        ci_b = 1.0 / jnp.maximum(cnt_b, 1.0)
        ci_ref[...] = ci_b
        a = s * ci_b
        h_ref[...] = jnp.maximum(
            jnp.dot(a, m1[...], preferred_element_type=jnp.float32)
            + jnp.dot(xa_ref[...], m2[...],
                      preferred_element_type=jnp.float32), 0.0)

    vmem = pl.BlockSpec(memory_space=pltpu.VMEM)
    return pl.pallas_call(
        body,
        out_shape=[
            jax.ShapeDtypeStruct((Nr, 128), jnp.float32),
            jax.ShapeDtypeStruct((Nr, 128), jnp.float32),
        ],
        in_specs=[vmem] * 5,
        out_specs=[vmem, vmem],
    )(p1b, xab, M1, M2, P)


def _dense2(p2b, hb, cib, M3, M4, b2v):
    Nr = hb.shape[0]

    def body(p_ref, h_ref, ci_ref, m3, m4, b2r, o_ref):
        a2 = (p_ref[0] + p_ref[1]) * ci_ref[...]
        o_ref[...] = (
            jnp.dot(a2, m3[...], preferred_element_type=jnp.float32)
            + jnp.dot(h_ref[...], m4[...],
                      preferred_element_type=jnp.float32)
            + b2r[...])

    vmem = pl.BlockSpec(memory_space=pltpu.VMEM)
    return pl.pallas_call(
        body,
        out_shape=jax.ShapeDtypeStruct((Nr, 128), jnp.float32),
        in_specs=[vmem] * 6,
        out_specs=vmem,
    )(p2b, hb, cib, M3, M4, b2v)


def kernel(x, edge_index, Wl1, Wr1, b1, Wl2, Wr2, b2):
    N = x.shape[0]
    G = 16
    Nr = N // G
    src = edge_index[0]
    dst = edge_index[1]
    xa = jnp.concatenate(
        [x, jnp.ones((N, 1), x.dtype), jnp.zeros((N, 4), x.dtype)], axis=1)
    z8 = jnp.zeros((N // NS, D), jnp.float32)

    eye = jnp.eye(G, dtype=jnp.float32)
    B1 = jnp.zeros((8, 8), jnp.float32).at[:3, :].set(Wl1.T)
    B2 = jnp.zeros((8, 8), jnp.float32).at[:3, :].set(Wr1.T).at[3, :].set(b1)
    BP = jnp.zeros((8, 8), jnp.float32).at[3, :].set(1.0)
    B3 = jnp.zeros((8, 8), jnp.float32).at[:, :2].set(Wl2.T)
    B4 = jnp.zeros((8, 8), jnp.float32).at[:, :2].set(Wr2.T)
    M1 = jnp.kron(eye, B1)
    M2 = jnp.kron(eye, B2)
    P = jnp.kron(eye, BP)
    M3 = jnp.kron(eye, B3)
    M4 = jnp.kron(eye, B4)
    b2v = jnp.tile(jnp.concatenate([b2, jnp.zeros((6,), jnp.float32)]), G)

    p1 = _edge_pass(xa, src, dst, z8)
    hb, cib = _dense1(p1.reshape(NC, Nr, 128), xa.reshape(Nr, 128),
                      M1, M2, P)
    h = hb.reshape(N, 8)
    p2 = _edge_pass(h, src, dst, z8)
    outb = _dense2(p2.reshape(NC, Nr, 128), hb, cib, M3, M4, b2v)
    return outb.reshape(N, 8)[:, :2]

# --- scband reference (transcript-rebuilt; emitter-appended) ---
"""Pipeline reference for scband-simple-graph-sage-2078764171393 (READ-ONLY COPY).

The authoritative reference and input builder live on the scoring server;
editing this copy changes nothing except your own understanding.
"""

import jax, jax.numpy as jnp
import numpy as np

N_NODES = 100000
N_EDGES = 6400000

def setup_inputs(seed: int = 0) -> dict:
    key = jax.random.key(seed)
    ks = jax.random.split(key, 8)
    x = jax.random.normal(ks[0], (N_NODES, 3), dtype=jnp.float32)
    edge_index = jax.random.randint(ks[1], (2, N_EDGES), 0, N_NODES, dtype=jnp.int64 if jax.config.jax_enable_x64 else jnp.int32).astype(jnp.int32)
    # SAGEConv params: lin_l (applied to aggregated neighbors, has bias), lin_r (applied to root, no bias)
    def glorot(k, shape):
        fan_in, fan_out = shape[1], shape[0]
        lim = jnp.sqrt(6.0 / (fan_in + fan_out))
        return jax.random.uniform(k, shape, dtype=jnp.float32, minval=-lim, maxval=lim)
    Wl1 = glorot(ks[2], (8, 3))
    Wr1 = glorot(ks[3], (8, 3))
    b1 = jnp.zeros((8,), dtype=jnp.float32)
    Wl2 = glorot(ks[4], (2, 8))
    Wr2 = glorot(ks[5], (2, 8))
    b2 = jnp.zeros((2,), dtype=jnp.float32)
    return {"x": x, "edge_index": edge_index, "Wl1": Wl1, "Wr1": Wr1, "b1": b1, "Wl2": Wl2, "Wr2": Wr2, "b2": b2}

def _sage_layer(x, edge_index, Wl, Wr, b):
    src = edge_index[0]
    dst = edge_index[1]
    n = x.shape[0]
    msgs = jnp.take(x, src, axis=0)
    summed = jax.ops.segment_sum(msgs, dst, num_segments=n)
    cnt = jax.ops.segment_sum(jnp.ones((edge_index.shape[1],), dtype=x.dtype), dst, num_segments=n)
    aggr = summed / jnp.maximum(cnt, 1.0)[:, None]
    return aggr @ Wl.T + b + x @ Wr.T

def reference(x, edge_index, Wl1, Wr1, b1, Wl2, Wr2, b2):
    h = jax.nn.relu(_sage_layer(x, edge_index, Wl1, Wr1, b1))
    out = _sage_layer(h, edge_index, Wl2, Wr2, b2)
    return out

if __name__ == "__main__":
    import jax
    _d = setup_inputs()
    print(jax.jit(kernel)(*tuple(_d.values())))

</pallas_src>

<mosaic_0001>
#map = affine_map<(d0, d1) -> (0, 0)>
#map1 = affine_map<(d0, d1) -> (0)>
#map2 = affine_map<(d0, d1) -> (0, 0, 0)>
module attributes {stable_mosaic.version = 14 : i64} {
  func.func @k(%arg0: i32, %arg1: i32, %arg2: memref<100000x8xf32, #tpu.memory_space<hbm>>, %arg3: memref<6400000xi32, #tpu.memory_space<hbm>>, %arg4: memref<6400000xi32, #tpu.memory_space<hbm>>, %arg5: memref<6250x8xf32, #tpu.memory_space<hbm>>, %arg6: memref<2x100000x8xf32, #tpu.memory_space<hbm>>, %arg7: memref<100000x8xf32, #tpu.memory_space<vmem_shared>>, %arg8: memref<2000xi32, #tpu.memory_space<vmem>>, %arg9: memref<2000xi32, #tpu.memory_space<vmem>>, %arg10: memref<2000xi32, #tpu.memory_space<vmem>>, %arg11: memref<2000xi32, #tpu.memory_space<vmem>>, %arg12: memref<2000xi32, #tpu.memory_space<vmem>>, %arg13: memref<2000xi32, #tpu.memory_space<vmem>>, %arg14: memref<2000xi32, #tpu.memory_space<vmem>>, %arg15: memref<2000xi32, #tpu.memory_space<vmem>>, %arg16: memref<2000x8xf32, #tpu.memory_space<vmem>>, %arg17: memref<2000x8xf32, #tpu.memory_space<vmem>>, %arg18: memref<2000x8xf32, #tpu.memory_space<vmem>>, %arg19: memref<2000x8xf32, #tpu.memory_space<vmem>>, %arg20: memref<!tpu.dma_semaphore, #tpu.memory_space<semaphore_mem>>, %arg21: memref<!tpu.dma_semaphore, #tpu.memory_space<semaphore_mem>>, %arg22: memref<!tpu.dma_semaphore, #tpu.memory_space<semaphore_mem>>, %arg23: memref<!tpu.dma_semaphore, #tpu.memory_space<semaphore_mem>>, %arg24: memref<!tpu.dma_semaphore, #tpu.memory_space<semaphore_mem>>, %arg25: memref<!tpu.dma_semaphore, #tpu.memory_space<semaphore_mem>>, %arg26: memref<!tpu.dma_semaphore, #tpu.memory_space<semaphore_mem>>, %arg27: memref<!tpu.dma_semaphore, #tpu.memory_space<semaphore_mem>>) attributes {dimension_semantics = [#tpu.dimension_semantics<core_parallel>, #tpu.dimension_semantics<subcore_parallel>], iteration_bounds = array<i64: 2, 16>, scalar_prefetch = 0 : i64, scratch_operands = 21 : i64, tpu.core_type = #tpu.core_type<sc_vector_subcore>, window_params = [{transform_indices = #map}, {transform_indices = #map1}, {transform_indices = #map1}, {transform_indices = #map}, {transform_indices = #map2}]} {
    %mul3A = arith.constant 2 : i32
    %mul3A_0 = arith.muli %arg1, %mul3A : i32
    %add3A = arith.addi %mul3A_0, %arg0 : i32
    %mul3A_1 = arith.constant 6250 : i32
    %mul3A_2 = arith.muli %arg1, %mul3A_1 : i32
    "tpu.region"() ({
      %run_scoped3A = tpu.sem_alloc : memref<!tpu.dma_semaphore, #tpu.memory_space<semaphore_mem>>
      %dma_start3A_29 = arith.constant 0 : i32
      %dma_start3A_30 = tpu.memref_slice %arg7[%mul3A_2, %dma_start3A_29] : memref<100000x8xf32, #tpu.memory_space<vmem_shared>> -> memref<6250x8xf32, #tpu.memory_space<vmem_shared>>
      tpu.enqueue_dma source(%arg5 : memref<6250x8xf32, #tpu.memory_space<hbm>>) target(%dma_start3A_30 : memref<6250x8xf32, #tpu.memory_space<vmem_shared>>) target_semaphore(%run_scoped3A : memref<!tpu.dma_semaphore, #tpu.memory_space<semaphore_mem>>)
      %dma_wait3A_31 = arith.constant 0 : i32
      %dma_wait3A_32 = tpu.memref_slice %arg7[%mul3A_2, %dma_wait3A_31] : memref<100000x8xf32, #tpu.memory_space<vmem_shared>> -> memref<6250x8xf32, #tpu.memory_space<vmem_shared>>
      tpu.wait_dma2 semaphore(%run_scoped3A : memref<!tpu.dma_semaphore, #tpu.memory_space<semaphore_mem>>) src(%arg5 : memref<6250x8xf32, #tpu.memory_space<hbm>>) dst(%dma_wait3A_32 : memref<6250x8xf32, #tpu.memory_space<vmem_shared>>)
      tpu.yield
    }) : () -> ()
    %barrier3A = arith.constant 0 : index
    tpu.barrier barrier_id(%barrier3A)
    %mul3A_3 = arith.constant 200000 : i32
    %mul3A_4 = arith.muli %add3A, %mul3A_3 : i32
    %add3A_5 = arith.constant 0 : i32
    %add3A_6 = arith.addi %mul3A_4, %add3A_5 : i32
    "tpu.region"() ({
      %run_scoped3A = tpu.sem_alloc : memref<!tpu.dma_semaphore, #tpu.memory_space<semaphore_mem>>
      %dma_start3A_29 = tpu.memref_slice %arg3[%add3A_6] : memref<6400000xi32, #tpu.memory_space<hbm>> -> memref<2000xi32, #tpu.memory_space<hbm>>
      %dma_start3A_30 = tpu.memref_slice %arg3[%add3A_6] : memref<6400000xi32, #tpu.memory_space<hbm>> -> memref<2000xi32, #tpu.memory_space<hbm>>
      tpu.enqueue_dma source(%dma_start3A_30 : memref<2000xi32, #tpu.memory_space<hbm>>) target(%arg8 : memref<2000xi32, #tpu.memory_space<vmem>>) target_semaphore(%run_scoped3A : memref<!tpu.dma_semaphore, #tpu.memory_space<semaphore_mem>>)
      %dma_wait3A_31 = tpu.memref_slice %arg3[%add3A_6] : memref<6400000xi32, #tpu.memory_space<hbm>> -> memref<2000xi32, #tpu.memory_space<hbm>>
      %dma_wait3A_32 = tpu.memref_slice %arg3[%add3A_6] : memref<6400000xi32, #tpu.memory_space<hbm>> -> memref<2000xi32, #tpu.memory_space<hbm>>
      tpu.wait_dma2 semaphore(%run_scoped3A : memref<!tpu.dma_semaphore, #tpu.memory_space<semaphore_mem>>) src(%dma_wait3A_32 : memref<2000xi32, #tpu.memory_space<hbm>>) dst(%arg8 : memref<2000xi32, #tpu.memory_space<vmem>>)
      tpu.yield
    }) : () -> ()
    "tpu.region"() ({
      %run_scoped3A = tpu.sem_alloc : memref<!tpu.dma_semaphore, #tpu.memory_space<semaphore_mem>>
      %dma_start3A_29 = tpu.memref_slice %arg4[%add3A_6] : memref<6400000xi32, #tpu.memory_space<hbm>> -> memref<2000xi32, #tpu.memory_space<hbm>>
      %dma_start3A_30 = tpu.memref_slice %arg4[%add3A_6] : memref<6400000xi32, #tpu.memory_space<hbm>> -> memref<2000xi32, #tpu.memory_space<hbm>>
      tpu.enqueue_dma source(%dma_start3A_30 : memref<2000xi32, #tpu.memory_space<hbm>>) target(%arg12 : memref<2000xi32, #tpu.memory_space<vmem>>) target_semaphore(%run_scoped3A : memref<!tpu.dma_semaphore, #tpu.memory_space<semaphore_mem>>)
      %dma_wait3A_31 = tpu.memref_slice %arg4[%add3A_6] : memref<6400000xi32, #tpu.memory_space<hbm>> -> memref<2000xi32, #tpu.memory_space<hbm>>
      %dma_wait3A_32 = tpu.memref_slice %arg4[%add3A_6] : memref<6400000xi32, #tpu.memory_space<hbm>> -> memref<2000xi32, #tpu.memory_space<hbm>>
      tpu.wait_dma2 semaphore(%run_scoped3A : memref<!tpu.dma_semaphore, #tpu.memory_space<semaphore_mem>>) src(%dma_wait3A_32 : memref<2000xi32, #tpu.memory_space<hbm>>) dst(%arg12 : memref<2000xi32, #tpu.memory_space<vmem>>)
      tpu.yield
    }) : () -> ()
    %dma_start3A = arith.constant 0 : i32
    %dma_start3A_7 = arith.constant 0 : i32
    %dma_start3A_8 = tpu.memref_slice %arg2[%dma_start3A, %dma_start3A_7] : memref<100000x8xf32, #tpu.memory_space<hbm>> -> memref<100000x8xf32, #tpu.memory_space<hbm>>
    tpu.enqueue_indirect_dma source(%dma_start3A_8 : memref<100000x8xf32, #tpu.memory_space<hbm>>) target(%arg16 : memref<2000x8xf32, #tpu.memory_space<vmem>>) offsets(%arg8 : memref<2000xi32, #tpu.memory_space<vmem>>) semaphore(%arg20 : memref<!tpu.dma_semaphore, #tpu.memory_space<semaphore_mem>>)
    %add3A_9 = arith.constant 2000 : i32
    %add3A_10 = arith.addi %mul3A_4, %add3A_9 : i32
    "tpu.region"() ({
      %run_scoped3A = tpu.sem_alloc : memref<!tpu.dma_semaphore, #tpu.memory_space<semaphore_mem>>
      %dma_start3A_29 = tpu.memref_slice %arg3[%add3A_10] : memref<6400000xi32, #tpu.memory_space<hbm>> -> memref<2000xi32, #tpu.memory_space<hbm>>
      %dma_start3A_30 = tpu.memref_slice %arg3[%add3A_10] : memref<6400000xi32, #tpu.memory_space<hbm>> -> memref<2000xi32, #tpu.memory_space<hbm>>
      tpu.enqueue_dma source(%dma_start3A_30 : memref<2000xi32, #tpu.memory_space<hbm>>) target(%arg9 : memref<2000xi32, #tpu.memory_space<vmem>>) target_semaphore(%run_scoped3A : memref<!tpu.dma_semaphore, #tpu.memory_space<semaphore_mem>>)
      %dma_wait3A_31 = tpu.memref_slice %arg3[%add3A_10] : memref<6400000xi32, #tpu.memory_space<hbm>> -> memref<2000xi32, #tpu.memory_space<hbm>>
      %dma_wait3A_32 = tpu.memref_slice %arg3[%add3A_10] : memref<6400000xi32, #tpu.memory_space<hbm>> -> memref<2000xi32, #tpu.memory_space<hbm>>
      tpu.wait_dma2 semaphore(%run_scoped3A : memref<!tpu.dma_semaphore, #tpu.memory_space<semaphore_mem>>) src(%dma_wait3A_32 : memref<2000xi32, #tpu.memory_space<hbm>>) dst(%arg9 : memref<2000xi32, #tpu.memory_space<vmem>>)
      tpu.yield
    }) : () -> ()
    "tpu.region"() ({
      %run_scoped3A = tpu.sem_alloc : memref<!tpu.dma_semaphore, #tpu.memory_space<semaphore_mem>>
      %dma_start3A_29 = tpu.memref_slice %arg4[%add3A_10] : memref<6400000xi32, #tpu.memory_space<hbm>> -> memref<2000xi32, #tpu.memory_space<hbm>>
      %dma_start3A_30 = tpu.memref_slice %arg4[%add3A_10] : memref<6400000xi32, #tpu.memory_space<hbm>> -> memref<2000xi32, #tpu.memory_space<hbm>>
      tpu.enqueue_dma source(%dma_start3A_30 : memref<2000xi32, #tpu.memory_space<hbm>>) target(%arg13 : memref<2000xi32, #tpu.memory_space<vmem>>) target_semaphore(%run_scoped3A : memref<!tpu.dma_semaphore, #tpu.memory_space<semaphore_mem>>)
      %dma_wait3A_31 = tpu.memref_slice %arg4[%add3A_10] : memref<6400000xi32, #tpu.memory_space<hbm>> -> memref<2000xi32, #tpu.memory_space<hbm>>
      %dma_wait3A_32 = tpu.memref_slice %arg4[%add3A_10] : memref<6400000xi32, #tpu.memory_space<hbm>> -> memref<2000xi32, #tpu.memory_space<hbm>>
      tpu.wait_dma2 semaphore(%run_scoped3A : memref<!tpu.dma_semaphore, #tpu.memory_space<semaphore_mem>>) src(%dma_wait3A_32 : memref<2000xi32, #tpu.memory_space<hbm>>) dst(%arg13 : memref<2000xi32, #tpu.memory_space<vmem>>)
      tpu.yield
    }) : () -> ()
    %dma_start3A_11 = arith.constant 0 : i32
    %dma_start3A_12 = arith.constant 0 : i32
    %dma_start3A_13 = tpu.memref_slice %arg2[%dma_start3A_11, %dma_start3A_12] : memref<100000x8xf32, #tpu.memory_space<hbm>> -> memref<100000x8xf32, #tpu.memory_space<hbm>>
    tpu.enqueue_indirect_dma source(%dma_start3A_13 : memref<100000x8xf32, #tpu.memory_space<hbm>>) target(%arg17 : memref<2000x8xf32, #tpu.memory_space<vmem>>) offsets(%arg9 : memref<2000xi32, #tpu.memory_space<vmem>>) semaphore(%arg21 : memref<!tpu.dma_semaphore, #tpu.memory_space<semaphore_mem>>)
    %scan3A = arith.constant 0 : i32
    %scan3A_14 = arith.constant 0 : i32
    %scan3A_15 = arith.constant 25 : i32
    %scan3A_16 = arith.addi %scan3A_14, %scan3A_15 : i32
    %scan3A_17 = arith.constant 1 : i32
    scf.for %scan3A_29 = %scan3A_14 to %scan3A_16 step %scan3A_17  : i32 {
      %mul3A_30 = arith.constant 4 : i32
      %mul3A_31 = arith.muli %scan3A_29, %mul3A_30 : i32
      %add3A_32 = arith.constant 0 : i32
      %add3A_33 = arith.addi %mul3A_31, %add3A_32 : i32
      %dma_wait3A_34 = arith.constant 0 : i32
      %dma_wait3A_35 = arith.constant 0 : i32
      %dma_wait3A_36 = tpu.memref_slice %arg2[%dma_wait3A_34, %dma_wait3A_35] : memref<100000x8xf32, #tpu.memory_space<hbm>> -> memref<100000x8xf32, #tpu.memory_space<hbm>>
      tpu.wait_indirect_dma semaphore(%arg20 : memref<!tpu.dma_semaphore, #tpu.memory_space<semaphore_mem>>) src(%dma_wait3A_36 : memref<100000x8xf32, #tpu.memory_space<hbm>>) dst(%arg16 : memref<2000x8xf32, #tpu.memory_space<vmem>>)
      %dma_start3A_37 = arith.constant 0 : i32
      %dma_start3A_38 = arith.constant 0 : i32
      %dma_start3A_39 = tpu.memref_slice %arg7[%dma_start3A_37, %dma_start3A_38] : memref<100000x8xf32, #tpu.memory_space<vmem_shared>> -> memref<100000x8xf32, #tpu.memory_space<vmem_shared>>
      tpu.enqueue_indirect_dma source(%arg16 : memref<2000x8xf32, #tpu.memory_space<vmem>>) target(%dma_start3A_39 : memref<100000x8xf32, #tpu.memory_space<vmem_shared>>) offsets(%arg12 : memref<2000xi32, #tpu.memory_space<vmem>>) semaphore(%arg24 : memref<!tpu.dma_semaphore, #tpu.memory_space<semaphore_mem>>) {add = true}
      %ge3A = arith.constant 2 : i32
      %ge3A_40 = arith.cmpi sge, %add3A_33, %ge3A : i32
      %convert_element_type3A = arith.extui %ge3A_40 : i1 to i32
      %cond3A = arith.constant 0 : i32
      %cond3A_41 = arith.cmpi ne, %convert_element_type3A, %cond3A : i32
      scf.if %cond3A_41 {
        %dma_wait3A_114 = arith.constant 0 : i32
        %dma_wait3A_115 = arith.constant 0 : i32
        %dma_wait3A_116 = tpu.memref_slice %arg7[%dma_wait3A_114, %dma_wait3A_115] : memref<100000x8xf32, #tpu.memory_space<vmem_shared>> -> memref<100000x8xf32, #tpu.memory_space<vmem_shared>>
        tpu.wait_indirect_dma semaphore(%arg26 : memref<!tpu.dma_semaphore, #tpu.memory_space<semaphore_mem>>) src(%arg18 : memref<2000x8xf32, #tpu.memory_space<vmem>>) dst(%dma_wait3A_116 : memref<100000x8xf32, #tpu.memory_space<vmem_shared>>)
      } else {
      }
      %add3A_42 = arith.constant 2 : i32
      %add3A_43 = arith.addi %add3A_33, %add3A_42 : i32
      %lt3A = arith.constant 100 : i32
      %lt3A_44 = arith.cmpi slt, %add3A_43, %lt3A : i32
      %convert_element_type3A_45 = arith.extui %lt3A_44 : i1 to i32
      %cond3A_46 = arith.constant 0 : i32
      %cond3A_47 = arith.cmpi ne, %convert_element_type3A_45, %cond3A_46 : i32
      scf.if %cond3A_47 {
        %add3A_114 = arith.constant 2 : i32
        %add3A_115 = arith.addi %add3A_33, %add3A_114 : i32
        %mul3A_116 = arith.constant 2000 : i32
        %mul3A_117 = arith.muli %add3A_115, %mul3A_116 : i32
        %add3A_118 = arith.addi %mul3A_4, %mul3A_117 : i32
        "tpu.region"() ({
          %run_scoped3A = tpu.sem_alloc : memref<!tpu.dma_semaphore, #tpu.memory_space<semaphore_mem>>
          %dma_start3A_122 = tpu.memref_slice %arg3[%add3A_118] : memref<6400000xi32, #tpu.memory_space<hbm>> -> memref<2000xi32, #tpu.memory_space<hbm>>
          %dma_start3A_123 = tpu.memref_slice %arg3[%add3A_118] : memref<6400000xi32, #tpu.memory_space<hbm>> -> memref<2000xi32, #tpu.memory_space<hbm>>
          tpu.enqueue_dma source(%dma_start3A_123 : memref<2000xi32, #tpu.memory_space<hbm>>) target(%arg10 : memref<2000xi32, #tpu.memory_space<vmem>>) target_semaphore(%run_scoped3A : memref<!tpu.dma_semaphore, #tpu.memory_space<semaphore_mem>>)
          %dma_wait3A_124 = tpu.memref_slice %arg3[%add3A_118] : memref<6400000xi32, #tpu.memory_space<hbm>> -> memref<2000xi32, #tpu.memory_space<hbm>>
          %dma_wait3A_125 = tpu.memref_slice %arg3[%add3A_118] : memref<6400000xi32, #tpu.memory_space<hbm>> -> memref<2000xi32, #tpu.memory_space<hbm>>
          tpu.wait_dma2 semaphore(%run_scoped3A : memref<!tpu.dma_semaphore, #tpu.memory_space<semaphore_mem>>) src(%dma_wait3A_125 : memref<2000xi32, #tpu.memory_space<hbm>>) dst(%arg10 : memref<2000xi32, #tpu.memory_space<vmem>>)
          tpu.yield
        }) : () -> ()
        "tpu.region"() ({
          %run_scoped3A = tpu.sem_alloc : memref<!tpu.dma_semaphore, #tpu.memory_space<semaphore_mem>>
          %dma_start3A_122 = tpu.memref_slice %arg4[%add3A_118] : memref<6400000xi32, #tpu.memory_space<hbm>> -> memref<2000xi32, #tpu.memory_space<hbm>>
          %dma_start3A_123 = tpu.memref_slice %arg4[%add3A_118] : memref<6400000xi32, #tpu.memory_space<hbm>> -> memref<2000xi32, #tpu.memory_space<hbm>>
          tpu.enqueue_dma source(%dma_start3A_123 : memref<2000xi32, #tpu.memory_space<hbm>>) target(%arg14 : memref<2000xi32, #tpu.memory_space<vmem>>) target_semaphore(%run_scoped3A : memref<!tpu.dma_semaphore, #tpu.memory_space<semaphore_mem>>)
          %dma_wait3A_124 = tpu.memref_slice %arg4[%add3A_118] : memref<6400000xi32, #tpu.memory_space<hbm>> -> memref<2000xi32, #tpu.memory_space<hbm>>
          %dma_wait3A_125 = tpu.memref_slice %arg4[%add3A_118] : memref<6400000xi32, #tpu.memory_space<hbm>> -> memref<2000xi32, #tpu.memory_space<hbm>>
          tpu.wait_dma2 semaphore(%run_scoped3A : memref<!tpu.dma_semaphore, #tpu.memory_space<semaphore_mem>>) src(%dma_wait3A_125 : memref<2000xi32, #tpu.memory_space<hbm>>) dst(%arg14 : memref<2000xi32, #tpu.memory_space<vmem>>)
          tpu.yield
        }) : () -> ()
        %dma_start3A_119 = arith.constant 0 : i32
        %dma_start3A_120 = arith.constant 0 : i32
        %dma_start3A_121 = tpu.memref_slice %arg2[%dma_start3A_119, %dma_start3A_120] : memref<100000x8xf32, #tpu.memory_space<hbm>> -> memref<100000x8xf32, #tpu.memory_space<hbm>>
        tpu.enqueue_indirect_dma source(%dma_start3A_121 : memref<100000x8xf32, #tpu.memory_space<hbm>>) target(%arg18 : memref<2000x8xf32, #tpu.memory_space<vmem>>) offsets(%arg10 : memref<2000xi32, #tpu.memory_space<vmem>>) semaphore(%arg22 : memref<!tpu.dma_semaphore, #tpu.memory_space<semaphore_mem>>)
      } else {
      }
      %mul3A_48 = arith.constant 4 : i32
      %mul3A_49 = arith.muli %scan3A_29, %mul3A_48 : i32
      %add3A_50 = arith.constant 1 : i32
      %add3A_51 = arith.addi %mul3A_49, %add3A_50 : i32
      %dma_wait3A_52 = arith.constant 0 : i32
      %dma_wait3A_53 = arith.constant 0 : i32
      %dma_wait3A_54 = tpu.memref_slice %arg2[%dma_wait3A_52, %dma_wait3A_53] : memref<100000x8xf32, #tpu.memory_space<hbm>> -> memref<100000x8xf32, #tpu.memory_space<hbm>>
      tpu.wait_indirect_dma semaphore(%arg21 : memref<!tpu.dma_semaphore, #tpu.memory_space<semaphore_mem>>) src(%dma_wait3A_54 : memref<100000x8xf32, #tpu.memory_space<hbm>>) dst(%arg17 : memref<2000x8xf32, #tpu.memory_space<vmem>>)
      %dma_start3A_55 = arith.constant 0 : i32
      %dma_start3A_56 = arith.constant 0 : i32
      %dma_start3A_57 = tpu.memref_slice %arg7[%dma_start3A_55, %dma_start3A_56] : memref<100000x8xf32, #tpu.memory_space<vmem_shared>> -> memref<100000x8xf32, #tpu.memory_space<vmem_shared>>
      tpu.enqueue_indirect_dma source(%arg17 : memref<2000x8xf32, #tpu.memory_space<vmem>>) target(%dma_start3A_57 : memref<100000x8xf32, #tpu.memory_space<vmem_shared>>) offsets(%arg13 : memref<2000xi32, #tpu.memory_space<vmem>>) semaphore(%arg25 : memref<!tpu.dma_semaphore, #tpu.memory_space<semaphore_mem>>) {add = true}
      %ge3A_58 = arith.constant 2 : i32
      %ge3A_59 = arith.cmpi sge, %add3A_51, %ge3A_58 : i32
      %convert_element_type3A_60 = arith.extui %ge3A_59 : i1 to i32
      %cond3A_61 = arith.constant 0 : i32
      %cond3A_62 = arith.cmpi ne, %convert_element_type3A_60, %cond3A_61 : i32
      scf.if %cond3A_62 {
        %dma_wait3A_114 = arith.constant 0 : i32
        %dma_wait3A_115 = arith.constant 0 : i32
        %dma_wait3A_116 = tpu.memref_slice %arg7[%dma_wait3A_114, %dma_wait3A_115] : memref<100000x8xf32, #tpu.memory_space<vmem_shared>> -> memref<100000x8xf32, #tpu.memory_space<vmem_shared>>
        tpu.wait_indirect_dma semaphore(%arg27 : memref<!tpu.dma_semaphore, #tpu.memory_space<semaphore_mem>>) src(%arg19 : memref<2000x8xf32, #tpu.memory_space<vmem>>) dst(%dma_wait3A_116 : memref<100000x8xf32, #tpu.memory_space<vmem_shared>>)
      } else {
      }
      %add3A_63 = arith.constant 2 : i32
      %add3A_64 = arith.addi %add3A_51, %add3A_63 : i32
      %lt3A_65 = arith.constant 100 : i32
      %lt3A_66 = arith.cmpi slt, %add3A_64, %lt3A_65 : i32
      %convert_element_type3A_67 = arith.extui %lt3A_66 : i1 to i32
      %cond3A_68 = arith.constant 0 : i32
      %cond3A_69 = arith.cmpi ne, %convert_element_type3A_67, %cond3A_68 : i32
      scf.if %cond3A_69 {
        %add3A_114 = arith.constant 2 : i32
        %add3A_115 = arith.addi %add3A_51, %add3A_114 : i32
        %mul3A_116 = arith.constant 2000 : i32
        %mul3A_117 = arith.muli %add3A_115, %mul3A_116 : i32
        %add3A_118 = arith.addi %mul3A_4, %mul3A_117 : i32
        "tpu.region"() ({
          %run_scoped3A = tpu.sem_alloc : memref<!tpu.dma_semaphore, #tpu.memory_space<semaphore_mem>>
          %dma_start3A_122 = tpu.memref_slice %arg3[%add3A_118] : memref<6400000xi32, #tpu.memory_space<hbm>> -> memref<2000xi32, #tpu.memory_space<hbm>>
          %dma_start3A_123 = tpu.memref_slice %arg3[%add3A_118] : memref<6400000xi32, #tpu.memory_space<hbm>> -> memref<2000xi32, #tpu.memory_space<hbm>>
          tpu.enqueue_dma source(%dma_start3A_123 : memref<2000xi32, #tpu.memory_space<hbm>>) target(%arg11 : memref<2000xi32, #tpu.memory_space<vmem>>) target_semaphore(%run_scoped3A : memref<!tpu.dma_semaphore, #tpu.memory_space<semaphore_mem>>)
          %dma_wait3A_124 = tpu.memref_slice %arg3[%add3A_118] : memref<6400000xi32, #tpu.memory_space<hbm>> -> memref<2000xi32, #tpu.memory_space<hbm>>
          %dma_wait3A_125 = tpu.memref_slice %arg3[%add3A_118] : memref<6400000xi32, #tpu.memory_space<hbm>> -> memref<2000xi32, #tpu.memory_space<hbm>>
          tpu.wait_dma2 semaphore(%run_scoped3A : memref<!tpu.dma_semaphore, #tpu.memory_space<semaphore_mem>>) src(%dma_wait3A_125 : memref<2000xi32, #tpu.memory_space<hbm>>) dst(%arg11 : memref<2000xi32, #tpu.memory_space<vmem>>)
          tpu.yield
        }) : () -> ()
        "tpu.region"() ({
          %run_scoped3A = tpu.sem_alloc : memref<!tpu.dma_semaphore, #tpu.memory_space<semaphore_mem>>
          %dma_start3A_122 = tpu.memref_slice %arg4[%add3A_118] : memref<6400000xi32, #tpu.memory_space<hbm>> -> memref<2000xi32, #tpu.memory_space<hbm>>
          %dma_start3A_123 = tpu.memref_slice %arg4[%add3A_118] : memref<6400000xi32, #tpu.memory_space<hbm>> -> memref<2000xi32, #tpu.memory_space<hbm>>
          tpu.enqueue_dma source(%dma_start3A_123 : memref<2000xi32, #tpu.memory_space<hbm>>) target(%arg15 : memref<2000xi32, #tpu.memory_space<vmem>>) target_semaphore(%run_scoped3A : memref<!tpu.dma_semaphore, #tpu.memory_space<semaphore_mem>>)
          %dma_wait3A_124 = tpu.memref_slice %arg4[%add3A_118] : memref<6400000xi32, #tpu.memory_space<hbm>> -> memref<2000xi32, #tpu.memory_space<hbm>>
          %dma_wait3A_125 = tpu.memref_slice %arg4[%add3A_118] : memref<6400000xi32, #tpu.memory_space<hbm>> -> memref<2000xi32, #tpu.memory_space<hbm>>
          tpu.wait_dma2 semaphore(%run_scoped3A : memref<!tpu.dma_semaphore, #tpu.memory_space<semaphore_mem>>) src(%dma_wait3A_125 : memref<2000xi32, #tpu.memory_space<hbm>>) dst(%arg15 : memref<2000xi32, #tpu.memory_space<vmem>>)
          tpu.yield
        }) : () -> ()
        %dma_start3A_119 = arith.constant 0 : i32
        %dma_start3A_120 = arith.constant 0 : i32
        %dma_start3A_121 = tpu.memref_slice %arg2[%dma_start3A_119, %dma_start3A_120] : memref<100000x8xf32, #tpu.memory_space<hbm>> -> memref<100000x8xf32, #tpu.memory_space<hbm>>
        tpu.enqueue_indirect_dma source(%dma_start3A_121 : memref<100000x8xf32, #tpu.memory_space<hbm>>) target(%arg19 : memref<2000x8xf32, #tpu.memory_space<vmem>>) offsets(%arg11 : memref<2000xi32, #tpu.memory_space<vmem>>) semaphore(%arg23 : memref<!tpu.dma_semaphore, #tpu.memory_space<semaphore_mem>>)
      } else {
      }
      %mul3A_70 = arith.constant 4 : i32
      %mul3A_71 = arith.muli %scan3A_29, %mul3A_70 : i32
      %add3A_72 = arith.constant 2 : i32
      %add3A_73 = arith.addi %mul3A_71, %add3A_72 : i32
      %dma_wait3A_74 = arith.constant 0 : i32
      %dma_wait3A_75 = arith.constant 0 : i32
      %dma_wait3A_76 = tpu.memref_slice %arg2[%dma_wait3A_74, %dma_wait3A_75] : memref<100000x8xf32, #tpu.memory_space<hbm>> -> memref<100000x8xf32, #tpu.memory_space<hbm>>
      tpu.wait_indirect_dma semaphore(%arg22 : memref<!tpu.dma_semaphore, #tpu.memory_space<semaphore_mem>>) src(%dma_wait3A_76 : memref<100000x8xf32, #tpu.memory_space<hbm>>) dst(%arg18 : memref<2000x8xf32, #tpu.memory_space<vmem>>)
      %dma_start3A_77 = arith.constant 0 : i32
      %dma_start3A_78 = arith.constant 0 : i32
      %dma_start3A_79 = tpu.memref_slice %arg7[%dma_start3A_77, %dma_start3A_78] : memref<100000x8xf32, #tpu.memory_space<vmem_shared>> -> memref<100000x8xf32, #tpu.memory_space<vmem_shared>>
      tpu.enqueue_indirect_dma source(%arg18 : memref<2000x8xf32, #tpu.memory_space<vmem>>) target(%dma_start3A_79 : memref<100000x8xf32, #tpu.memory_space<vmem_shared>>) offsets(%arg14 : memref<2000xi32, #tpu.memory_space<vmem>>) semaphore(%arg26 : memref<!tpu.dma_semaphore, #tpu.memory_space<semaphore_mem>>) {add = true}
      %ge3A_80 = arith.constant 2 : i32
      %ge3A_81 = arith.cmpi sge, %add3A_73, %ge3A_80 : i32
      %convert_element_type3A_82 = arith.extui %ge3A_81 : i1 to i32
      %cond3A_83 = arith.constant 0 : i32
      %cond3A_84 = arith.cmpi ne, %convert_element_type3A_82, %cond3A_83 : i32
      scf.if %cond3A_84 {
        %dma_wait3A_114 = arith.constant 0 : i32
        %dma_wait3A_115 = arith.constant 0 : i32
        %dma_wait3A_116 = tpu.memref_slice %arg7[%dma_wait3A_114, %dma_wait3A_115] : memref<100000x8xf32, #tpu.memory_space<vmem_shared>> -> memref<100000x8xf32, #tpu.memory_space<vmem_shared>>
        tpu.wait_indirect_dma semaphore(%arg24 : memref<!tpu.dma_semaphore, #tpu.memory_space<semaphore_mem>>) src(%arg16 : memref<2000x8xf32, #tpu.memory_space<vmem>>) dst(%dma_wait3A_116 : memref<100000x8xf32, #tpu.memory_space<vmem_shared>>)
      } else {
      }
      %add3A_85 = arith.constant 2 : i32
      %add3A_86 = arith.addi %add3A_73, %add3A_85 : i32
      %lt3A_87 = arith.constant 100 : i32
      %lt3A_88 = arith.cmpi slt, %add3A_86, %lt3A_87 : i32
      %convert_element_type3A_89 = arith.extui %lt3A_88 : i1 to i32
      %cond3A_90 = arith.constant 0 : i32
      %cond3A_91 = arith.cmpi ne, %convert_element_type3A_89, %cond3A_90 : i32
      scf.if %cond3A_91 {
        %add3A_114 = arith.constant 2 : i32
        %add3A_115 = arith.addi %add3A_73, %add3A_114 : i32
        %mul3A_116 = arith.constant 2000 : i32
        %mul3A_117 = arith.muli %add3A_115, %mul3A_116 : i32
        %add3A_118 = arith.addi %mul3A_4, %mul3A_117 : i32
        "tpu.region"() ({
          %run_scoped3A = tpu.sem_alloc : memref<!tpu.dma_semaphore, #tpu.memory_space<semaphore_mem>>
          %dma_start3A_122 = tpu.memref_slice %arg3[%add3A_118] : memref<6400000xi32, #tpu.memory_space<hbm>> -> memref<2000xi32, #tpu.memory_space<hbm>>
          %dma_start3A_123 = tpu.memref_slice %arg3[%add3A_118] : memref<6400000xi32, #tpu.memory_space<hbm>> -> memref<2000xi32, #tpu.memory_space<hbm>>
          tpu.enqueue_dma source(%dma_start3A_123 : memref<2000xi32, #tpu.memory_space<hbm>>) target(%arg8 : memref<2000xi32, #tpu.memory_space<vmem>>) target_semaphore(%run_scoped3A : memref<!tpu.dma_semaphore, #tpu.memory_space<semaphore_mem>>)
          %dma_wait3A_124 = tpu.memref_slice %arg3[%add3A_118] : memref<6400000xi32, #tpu.memory_space<hbm>> -> memref<2000xi32, #tpu.memory_space<hbm>>
          %dma_wait3A_125 = tpu.memref_slice %arg3[%add3A_118] : memref<6400000xi32, #tpu.memory_space<hbm>> -> memref<2000xi32, #tpu.memory_space<hbm>>
          tpu.wait_dma2 semaphore(%run_scoped3A : memref<!tpu.dma_semaphore, #tpu.memory_space<semaphore_mem>>) src(%dma_wait3A_125 : memref<2000xi32, #tpu.memory_space<hbm>>) dst(%arg8 : memref<2000xi32, #tpu.memory_space<vmem>>)
          tpu.yield
        }) : () -> ()
        "tpu.region"() ({
          %run_scoped3A = tpu.sem_alloc : memref<!tpu.dma_semaphore, #tpu.memory_space<semaphore_mem>>
          %dma_start3A_122 = tpu.memref_slice %arg4[%add3A_118] : memref<6400000xi32, #tpu.memory_space<hbm>> -> memref<2000xi32, #tpu.memory_space<hbm>>
          %dma_start3A_123 = tpu.memref_slice %arg4[%add3A_118] : memref<6400000xi32, #tpu.memory_space<hbm>> -> memref<2000xi32, #tpu.memory_space<hbm>>
          tpu.enqueue_dma source(%dma_start3A_123 : memref<2000xi32, #tpu.memory_space<hbm>>) target(%arg12 : memref<2000xi32, #tpu.memory_space<vmem>>) target_semaphore(%run_scoped3A : memref<!tpu.dma_semaphore, #tpu.memory_space<semaphore_mem>>)
          %dma_wait3A_124 = tpu.memref_slice %arg4[%add3A_118] : memref<6400000xi32, #tpu.memory_space<hbm>> -> memref<2000xi32, #tpu.memory_space<hbm>>
          %dma_wait3A_125 = tpu.memref_slice %arg4[%add3A_118] : memref<6400000xi32, #tpu.memory_space<hbm>> -> memref<2000xi32, #tpu.memory_space<hbm>>
          tpu.wait_dma2 semaphore(%run_scoped3A : memref<!tpu.dma_semaphore, #tpu.memory_space<semaphore_mem>>) src(%dma_wait3A_125 : memref<2000xi32, #tpu.memory_space<hbm>>) dst(%arg12 : memref<2000xi32, #tpu.memory_space<vmem>>)
          tpu.yield
        }) : () -> ()
        %dma_start3A_119 = arith.constant 0 : i32
        %dma_start3A_120 = arith.constant 0 : i32
        %dma_start3A_121 = tpu.memref_slice %arg2[%dma_start3A_119, %dma_start3A_120] : memref<100000x8xf32, #tpu.memory_space<hbm>> -> memref<100000x8xf32, #tpu.memory_space<hbm>>
        tpu.enqueue_indirect_dma source(%dma_start3A_121 : memref<100000x8xf32, #tpu.memory_space<hbm>>) target(%arg16 : memref<2000x8xf32, #tpu.memory_space<vmem>>) offsets(%arg8 : memref<2000xi32, #tpu.memory_space<vmem>>) semaphore(%arg20 : memref<!tpu.dma_semaphore, #tpu.memory_space<semaphore_mem>>)
      } else {
      }
      %mul3A_92 = arith.constant 4 : i32
      %mul3A_93 = arith.muli %scan3A_29, %mul3A_92 : i32
      %add3A_94 = arith.constant 3 : i32
      %add3A_95 = arith.addi %mul3A_93, %add3A_94 : i32
      %dma_wait3A_96 = arith.constant 0 : i32
      %dma_wait3A_97 = arith.constant 0 : i32
      %dma_wait3A_98 = tpu.memref_slice %arg2[%dma_wait3A_96, %dma_wait3A_97] : memref<100000x8xf32, #tpu.memory_space<hbm>> -> memref<100000x8xf32, #tpu.memory_space<hbm>>
      tpu.wait_indirect_dma semaphore(%arg23 : memref<!tpu.dma_semaphore, #tpu.memory_space<semaphore_mem>>) src(%dma_wait3A_98 : memref<100000x8xf32, #tpu.memory_space<hbm>>) dst(%arg19 : memref<2000x8xf32, #tpu.memory_space<vmem>>)
      %dma_start3A_99 = arith.constant 0 : i32
      %dma_start3A_100 = arith.constant 0 : i32
      %dma_start3A_101 = tpu.memref_slice %arg7[%dma_start3A_99, %dma_start3A_100] : memref<100000x8xf32, #tpu.memory_space<vmem_shared>> -> memref<100000x8xf32, #tpu.memory_space<vmem_shared>>
      tpu.enqueue_indirect_dma source(%arg19 : memref<2000x8xf32, #tpu.memory_space<vmem>>) target(%dma_start3A_101 : memref<100000x8xf32, #tpu.memory_space<vmem_shared>>) offsets(%arg15 : memref<2000xi32, #tpu.memory_space<vmem>>) semaphore(%arg27 : memref<!tpu.dma_semaphore, #tpu.memory_space<semaphore_mem>>) {add = true}
      %ge3A_102 = arith.constant 2 : i32
      %ge3A_103 = arith.cmpi sge, %add3A_95, %ge3A_102 : i32
      %convert_element_type3A_104 = arith.extui %ge3A_103 : i1 to i32
      %cond3A_105 = arith.constant 0 : i32
      %cond3A_106 = arith.cmpi ne, %convert_element_type3A_104, %cond3A_105 : i32
      scf.if %cond3A_106 {
        %dma_wait3A_114 = arith.constant 0 : i32
        %dma_wait3A_115 = arith.constant 0 : i32
        %dma_wait3A_116 = tpu.memref_slice %arg7[%dma_wait3A_114, %dma_wait3A_115] : memref<100000x8xf32, #tpu.memory_space<vmem_shared>> -> memref<100000x8xf32, #tpu.memory_space<vmem_shared>>
        tpu.wait_indirect_dma semaphore(%arg25 : memref<!tpu.dma_semaphore, #tpu.memory_space<semaphore_mem>>) src(%arg17 : memref<2000x8xf32, #tpu.memory_space<vmem>>) dst(%dma_wait3A_116 : memref<100000x8xf32, #tpu.memory_space<vmem_shared>>)
      } else {
      }
      %add3A_107 = arith.constant 2 : i32
      %add3A_108 = arith.addi %add3A_95, %add3A_107 : i32
      %lt3A_109 = arith.constant 100 : i32
      %lt3A_110 = arith.cmpi slt, %add3A_108, %lt3A_109 : i32
      %convert_element_type3A_111 = arith.extui %lt3A_110 : i1 to i32
      %cond3A_112 = arith.constant 0 : i32
      %cond3A_113 = arith.cmpi ne, %convert_element_type3A_111, %cond3A_112 : i32
      scf.if %cond3A_113 {
        %add3A_114 = arith.constant 2 : i32
        %add3A_115 = arith.addi %add3A_95, %add3A_114 : i32
        %mul3A_116 = arith.constant 2000 : i32
        %mul3A_117 = arith.muli %add3A_115, %mul3A_116 : i32
        %add3A_118 = arith.addi %mul3A_4, %mul3A_117 : i32
        "tpu.region"() ({
          %run_scoped3A = tpu.sem_alloc : memref<!tpu.dma_semaphore, #tpu.memory_space<semaphore_mem>>
          %dma_start3A_122 = tpu.memref_slice %arg3[%add3A_118] : memref<6400000xi32, #tpu.memory_space<hbm>> -> memref<2000xi32, #tpu.memory_space<hbm>>
          %dma_start3A_123 = tpu.memref_slice %arg3[%add3A_118] : memref<6400000xi32, #tpu.memory_space<hbm>> -> memref<2000xi32, #tpu.memory_space<hbm>>
          tpu.enqueue_dma source(%dma_start3A_123 : memref<2000xi32, #tpu.memory_space<hbm>>) target(%arg9 : memref<2000xi32, #tpu.memory_space<vmem>>) target_semaphore(%run_scoped3A : memref<!tpu.dma_semaphore, #tpu.memory_space<semaphore_mem>>)
          %dma_wait3A_124 = tpu.memref_slice %arg3[%add3A_118] : memref<6400000xi32, #tpu.memory_space<hbm>> -> memref<2000xi32, #tpu.memory_space<hbm>>
          %dma_wait3A_125 = tpu.memref_slice %arg3[%add3A_118] : memref<6400000xi32, #tpu.memory_space<hbm>> -> memref<2000xi32, #tpu.memory_space<hbm>>
          tpu.wait_dma2 semaphore(%run_scoped3A : memref<!tpu.dma_semaphore, #tpu.memory_space<semaphore_mem>>) src(%dma_wait3A_125 : memref<2000xi32, #tpu.memory_space<hbm>>) dst(%arg9 : memref<2000xi32, #tpu.memory_space<vmem>>)
          tpu.yield
        }) : () -> ()
        "tpu.region"() ({
          %run_scoped3A = tpu.sem_alloc : memref<!tpu.dma_semaphore, #tpu.memory_space<semaphore_mem>>
          %dma_start3A_122 = tpu.memref_slice %arg4[%add3A_118] : memref<6400000xi32, #tpu.memory_space<hbm>> -> memref<2000xi32, #tpu.memory_space<hbm>>
          %dma_start3A_123 = tpu.memref_slice %arg4[%add3A_118] : memref<6400000xi32, #tpu.memory_space<hbm>> -> memref<2000xi32, #tpu.memory_space<hbm>>
          tpu.enqueue_dma source(%dma_start3A_123 : memref<2000xi32, #tpu.memory_space<hbm>>) target(%arg13 : memref<2000xi32, #tpu.memory_space<vmem>>) target_semaphore(%run_scoped3A : memref<!tpu.dma_semaphore, #tpu.memory_space<semaphore_mem>>)
          %dma_wait3A_124 = tpu.memref_slice %arg4[%add3A_118] : memref<6400000xi32, #tpu.memory_space<hbm>> -> memref<2000xi32, #tpu.memory_space<hbm>>
          %dma_wait3A_125 = tpu.memref_slice %arg4[%add3A_118] : memref<6400000xi32, #tpu.memory_space<hbm>> -> memref<2000xi32, #tpu.memory_space<hbm>>
          tpu.wait_dma2 semaphore(%run_scoped3A : memref<!tpu.dma_semaphore, #tpu.memory_space<semaphore_mem>>) src(%dma_wait3A_125 : memref<2000xi32, #tpu.memory_space<hbm>>) dst(%arg13 : memref<2000xi32, #tpu.memory_space<vmem>>)
          tpu.yield
        }) : () -> ()
        %dma_start3A_119 = arith.constant 0 : i32
        %dma_start3A_120 = arith.constant 0 : i32
        %dma_start3A_121 = tpu.memref_slice %arg2[%dma_start3A_119, %dma_start3A_120] : memref<100000x8xf32, #tpu.memory_space<hbm>> -> memref<100000x8xf32, #tpu.memory_space<hbm>>
        tpu.enqueue_indirect_dma source(%dma_start3A_121 : memref<100000x8xf32, #tpu.memory_space<hbm>>) target(%arg17 : memref<2000x8xf32, #tpu.memory_space<vmem>>) offsets(%arg9 : memref<2000xi32, #tpu.memory_space<vmem>>) semaphore(%arg21 : memref<!tpu.dma_semaphore, #tpu.memory_space<semaphore_mem>>)
      } else {
      }
    }
    %scan3A_18 = arith.constant 25 : i32
    %dma_wait3A = arith.constant 0 : i32
    %dma_wait3A_19 = arith.constant 0 : i32
    %dma_wait3A_20 = tpu.memref_slice %arg7[%dma_wait3A, %dma_wait3A_19] : memref<100000x8xf32, #tpu.memory_space<vmem_shared>> -> memref<100000x8xf32, #tpu.memory_space<vmem_shared>>
    tpu.wait_indirect_dma semaphore(%arg26 : memref<!tpu.dma_semaphore, #tpu.memory_space<semaphore_mem>>) src(%arg18 : memref<2000x8xf32, #tpu.memory_space<vmem>>) dst(%dma_wait3A_20 : memref<100000x8xf32, #tpu.memory_space<vmem_shared>>)
    %dma_wait3A_21 = arith.constant 0 : i32
    %dma_wait3A_22 = arith.constant 0 : i32
    %dma_wait3A_23 = tpu.memref_slice %arg7[%dma_wait3A_21, %dma_wait3A_22] : memref<100000x8xf32, #tpu.memory_space<vmem_shared>> -> memref<100000x8xf32, #tpu.memory_space<vmem_shared>>
    tpu.wait_indirect_dma semaphore(%arg27 : memref<!tpu.dma_semaphore, #tpu.memory_space<semaphore_mem>>) src(%arg19 : memref<2000x8xf32, #tpu.memory_space<vmem>>) dst(%dma_wait3A_23 : memref<100000x8xf32, #tpu.memory_space<vmem_shared>>)
    %barrier3A_24 = arith.constant 0 : index
    tpu.barrier barrier_id(%barrier3A_24)
    %mul3A_25 = arith.constant 6250 : i32
    %mul3A_26 = arith.muli %arg1, %mul3A_25 : i32
    %mul3A_27 = arith.constant 6250 : i32
    %mul3A_28 = arith.muli %arg1, %mul3A_27 : i32
    "tpu.region"() ({
      %run_scoped3A = tpu.sem_alloc : memref<!tpu.dma_semaphore, #tpu.memory_space<semaphore_mem>>
      %dma_start3A_29 = arith.constant 0 : i32
      %dma_start3A_30 = tpu.memref_slice %arg6[%arg0, %mul3A_28, %dma_start3A_29] : memref<2x100000x8xf32, #tpu.memory_space<hbm>> -> memref<1x6250x8xf32, #tpu.memory_space<hbm>>
      %dma_start3A_31 = tpu.memref_squeeze %dma_start3A_30 : memref<1x6250x8xf32, #tpu.memory_space<hbm>> -> memref<6250x8xf32, #tpu.memory_space<hbm>>
      %dma_start3A_32 = arith.constant 0 : i32
      %dma_start3A_33 = tpu.memref_slice %arg7[%mul3A_26, %dma_start3A_32] : memref<100000x8xf32, #tpu.memory_space<vmem_shared>> -> memref<6250x8xf32, #tpu.memory_space<vmem_shared>>
      tpu.enqueue_dma source(%dma_start3A_33 : memref<6250x8xf32, #tpu.memory_space<vmem_shared>>) target(%dma_start3A_31 : memref<6250x8xf32, #tpu.memory_space<hbm>>) target_semaphore(%run_scoped3A : memref<!tpu.dma_semaphore, #tpu.memory_space<semaphore_mem>>)
      %dma_wait3A_34 = arith.constant 0 : i32
      %dma_wait3A_35 = tpu.memref_slice %arg6[%arg0, %mul3A_28, %dma_wait3A_34] : memref<2x100000x8xf32, #tpu.memory_space<hbm>> -> memref<1x6250x8xf32, #tpu.memory_space<hbm>>
      %dma_wait3A_36 = tpu.memref_squeeze %dma_wait3A_35 : memref<1x6250x8xf32, #tpu.memory_space<hbm>> -> memref<6250x8xf32, #tpu.memory_space<hbm>>
      %dma_wait3A_37 = arith.constant 0 : i32
      %dma_wait3A_38 = tpu.memref_slice %arg7[%mul3A_26, %dma_wait3A_37] : memref<100000x8xf32, #tpu.memory_space<vmem_shared>> -> memref<6250x8xf32, #tpu.memory_space<vmem_shared>>
      tpu.wait_dma2 semaphore(%run_scoped3A : memref<!tpu.dma_semaphore, #tpu.memory_space<semaphore_mem>>) src(%dma_wait3A_38 : memref<6250x8xf32, #tpu.memory_space<vmem_shared>>) dst(%dma_wait3A_36 : memref<6250x8xf32, #tpu.memory_space<hbm>>)
      tpu.yield
    }) : () -> ()
    return
  }
}

#map = affine_map<(d0, d1) -> (0, 0)>
#map1 = affine_map<(d0, d1) -> (0)>
#map2 = affine_map<(d0, d1) -> (0, 0, 0)>
module attributes {stable_mosaic.version = 14 : i64} {
  func.func @k(%arg0: i32, %arg1: i32, %arg2: memref<100000x8xf32, #tpu.memory_space<hbm>>, %arg3: memref<6400000xi32, #tpu.memory_space<hbm>>, %arg4: memref<6400000xi32, #tpu.memory_space<hbm>>, %arg5: memref<6250x8xf32, #tpu.memory_space<hbm>>, %arg6: memref<2x100000x8xf32, #tpu.memory_space<hbm>>, %arg7: memref<100000x8xf32, #tpu.memory_space<vmem_shared>>, %arg8: memref<2000xi32, #tpu.memory_space<vmem>>, %arg9: memref<2000xi32, #tpu.memory_space<vmem>>, %arg10: memref<2000xi32, #tpu.memory_space<vmem>>, %arg11: memref<2000xi32, #tpu.memory_space<vmem>>, %arg12: memref<2000xi32, #tpu.memory_space<vmem>>, %arg13: memref<2000xi32, #tpu.memory_space<vmem>>, %arg14: memref<2000xi32, #tpu.memory_space<vmem>>, %arg15: memref<2000xi32, #tpu.memory_space<vmem>>, %arg16: memref<2000x8xf32, #tpu.memory_space<vmem>>, %arg17: memref<2000x8xf32, #tpu.memory_space<vmem>>, %arg18: memref<2000x8xf32, #tpu.memory_space<vmem>>, %arg19: memref<2000x8xf32, #tpu.memory_space<vmem>>, %arg20: memref<!tpu.dma_semaphore, #tpu.memory_space<semaphore_mem>>, %arg21: memref<!tpu.dma_semaphore, #tpu.memory_space<semaphore_mem>>, %arg22: memref<!tpu.dma_semaphore, #tpu.memory_space<semaphore_mem>>, %arg23: memref<!tpu.dma_semaphore, #tpu.memory_space<semaphore_mem>>, %arg24: memref<!tpu.dma_semaphore, #tpu.memory_space<semaphore_mem>>, %arg25: memref<!tpu.dma_semaphore, #tpu.memory_space<semaphore_mem>>, %arg26: memref<!tpu.dma_semaphore, #tpu.memory_space<semaphore_mem>>, %arg27: memref<!tpu.dma_semaphore, #tpu.memory_space<semaphore_mem>>) attributes {dimension_semantics = [#tpu.dimension_semantics<core_parallel>, #tpu.dimension_semantics<subcore_parallel>], iteration_bounds = array<i64: 2, 16>, scalar_prefetch = 0 : i64, scratch_operands = 21 : i64, tpu.core_type = #tpu.core_type<sc_vector_subcore>, window_params = [{transform_indices = #map}, {transform_indices = #map1}, {transform_indices = #map1}, {transform_indices = #map}, {transform_indices = #map2}]} {
    %mul3A = arith.constant 2 : i32
    %mul3A_0 = arith.muli %arg1, %mul3A : i32
    %add3A = arith.addi %mul3A_0, %arg0 : i32
    %mul3A_1 = arith.constant 6250 : i32
    %mul3A_2 = arith.muli %arg1, %mul3A_1 : i32
    "tpu.region"() ({
      %run_scoped3A = tpu.sem_alloc : memref<!tpu.dma_semaphore, #tpu.memory_space<semaphore_mem>>
      %dma_start3A_29 = arith.constant 0 : i32
      %dma_start3A_30 = tpu.memref_slice %arg7[%mul3A_2, %dma_start3A_29] : memref<100000x8xf32, #tpu.memory_space<vmem_shared>> -> memref<6250x8xf32, #tpu.memory_space<vmem_shared>>
      tpu.enqueue_dma source(%arg5 : memref<6250x8xf32, #tpu.memory_space<hbm>>) target(%dma_start3A_30 : memref<6250x8xf32, #tpu.memory_space<vmem_shared>>) target_semaphore(%run_scoped3A : memref<!tpu.dma_semaphore, #tpu.memory_space<semaphore_mem>>)
      %dma_wait3A_31 = arith.constant 0 : i32
      %dma_wait3A_32 = tpu.memref_slice %arg7[%mul3A_2, %dma_wait3A_31] : memref<100000x8xf32, #tpu.memory_space<vmem_shared>> -> memref<6250x8xf32, #tpu.memory_space<vmem_shared>>
      tpu.wait_dma2 semaphore(%run_scoped3A : memref<!tpu.dma_semaphore, #tpu.memory_space<semaphore_mem>>) src(%arg5 : memref<6250x8xf32, #tpu.memory_space<hbm>>) dst(%dma_wait3A_32 : memref<6250x8xf32, #tpu.memory_space<vmem_shared>>)
      tpu.yield
    }) : () -> ()
    %barrier3A = arith.constant 0 : index
    tpu.barrier barrier_id(%barrier3A)
    %mul3A_3 = arith.constant 200000 : i32
    %mul3A_4 = arith.muli %add3A, %mul3A_3 : i32
    %add3A_5 = arith.constant 0 : i32
    %add3A_6 = arith.addi %mul3A_4, %add3A_5 : i32
    "tpu.region"() ({
      %run_scoped3A = tpu.sem_alloc : memref<!tpu.dma_semaphore, #tpu.memory_space<semaphore_mem>>
      %dma_start3A_29 = tpu.memref_slice %arg3[%add3A_6] : memref<6400000xi32, #tpu.memory_space<hbm>> -> memref<2000xi32, #tpu.memory_space<hbm>>
      %dma_start3A_30 = tpu.memref_slice %arg3[%add3A_6] : memref<6400000xi32, #tpu.memory_space<hbm>> -> memref<2000xi32, #tpu.memory_space<hbm>>
      tpu.enqueue_dma source(%dma_start3A_30 : memref<2000xi32, #tpu.memory_space<hbm>>) target(%arg8 : memref<2000xi32, #tpu.memory_space<vmem>>) target_semaphore(%run_scoped3A : memref<!tpu.dma_semaphore, #tpu.memory_space<semaphore_mem>>)
      %dma_wait3A_31 = tpu.memref_slice %arg3[%add3A_6] : memref<6400000xi32, #tpu.memory_space<hbm>> -> memref<2000xi32, #tpu.memory_space<hbm>>
      %dma_wait3A_32 = tpu.memref_slice %arg3[%add3A_6] : memref<6400000xi32, #tpu.memory_space<hbm>> -> memref<2000xi32, #tpu.memory_space<hbm>>
      tpu.wait_dma2 semaphore(%run_scoped3A : memref<!tpu.dma_semaphore, #tpu.memory_space<semaphore_mem>>) src(%dma_wait3A_32 : memref<2000xi32, #tpu.memory_space<hbm>>) dst(%arg8 : memref<2000xi32, #tpu.memory_space<vmem>>)
      tpu.yield
    }) : () -> ()
    "tpu.region"() ({
      %run_scoped3A = tpu.sem_alloc : memref<!tpu.dma_semaphore, #tpu.memory_space<semaphore_mem>>
      %dma_start3A_29 = tpu.memref_slice %arg4[%add3A_6] : memref<6400000xi32, #tpu.memory_space<hbm>> -> memref<2000xi32, #tpu.memory_space<hbm>>
      %dma_start3A_30 = tpu.memref_slice %arg4[%add3A_6] : memref<6400000xi32, #tpu.memory_space<hbm>> -> memref<2000xi32, #tpu.memory_space<hbm>>
      tpu.enqueue_dma source(%dma_start3A_30 : memref<2000xi32, #tpu.memory_space<hbm>>) target(%arg12 : memref<2000xi32, #tpu.memory_space<vmem>>) target_semaphore(%run_scoped3A : memref<!tpu.dma_semaphore, #tpu.memory_space<semaphore_mem>>)
      %dma_wait3A_31 = tpu.memref_slice %arg4[%add3A_6] : memref<6400000xi32, #tpu.memory_space<hbm>> -> memref<2000xi32, #tpu.memory_space<hbm>>
      %dma_wait3A_32 = tpu.memref_slice %arg4[%add3A_6] : memref<6400000xi32, #tpu.memory_space<hbm>> -> memref<2000xi32, #tpu.memory_space<hbm>>
      tpu.wait_dma2 semaphore(%run_scoped3A : memref<!tpu.dma_semaphore, #tpu.memory_space<semaphore_mem>>) src(%dma_wait3A_32 : memref<2000xi32, #tpu.memory_space<hbm>>) dst(%arg12 : memref<2000xi32, #tpu.memory_space<vmem>>)
      tpu.yield
    }) : () -> ()
    %dma_start3A = arith.constant 0 : i32
    %dma_start3A_7 = arith.constant 0 : i32
    %dma_start3A_8 = tpu.memref_slice %arg2[%dma_start3A, %dma_start3A_7] : memref<100000x8xf32, #tpu.memory_space<hbm>> -> memref<100000x8xf32, #tpu.memory_space<hbm>>
    tpu.enqueue_indirect_dma source(%dma_start3A_8 : memref<100000x8xf32, #tpu.memory_space<hbm>>) target(%arg16 : memref<2000x8xf32, #tpu.memory_space<vmem>>) offsets(%arg8 : memref<2000xi32, #tpu.memory_space<vmem>>) semaphore(%arg20 : memref<!tpu.dma_semaphore, #tpu.memory_space<semaphore_mem>>)
    %add3A_9 = arith.constant 2000 : i32
    %add3A_10 = arith.addi %mul3A_4, %add3A_9 : i32
    "tpu.region"() ({
      %run_scoped3A = tpu.sem_alloc : memref<!tpu.dma_semaphore, #tpu.memory_space<semaphore_mem>>
      %dma_start3A_29 = tpu.memref_slice %arg3[%add3A_10] : memref<6400000xi32, #tpu.memory_space<hbm>> -> memref<2000xi32, #tpu.memory_space<hbm>>
      %dma_start3A_30 = tpu.memref_slice %arg3[%add3A_10] : memref<6400000xi32, #tpu.memory_space<hbm>> -> memref<2000xi32, #tpu.memory_space<hbm>>
      tpu.enqueue_dma source(%dma_start3A_30 : memref<2000xi32, #tpu.memory_space<hbm>>) target(%arg9 : memref<2000xi32, #tpu.memory_space<vmem>>) target_semaphore(%run_scoped3A : memref<!tpu.dma_semaphore, #tpu.memory_space<semaphore_mem>>)
      %dma_wait3A_31 = tpu.memref_slice %arg3[%add3A_10] : memref<6400000xi32, #tpu.memory_space<hbm>> -> memref<2000xi32, #tpu.memory_space<hbm>>
      %dma_wait3A_32 = tpu.memref_slice %arg3[%add3A_10] : memref<6400000xi32, #tpu.memory_space<hbm>> -> memref<2000xi32, #tpu.memory_space<hbm>>
      tpu.wait_dma2 semaphore(%run_scoped3A : memref<!tpu.dma_semaphore, #tpu.memory_space<semaphore_mem>>) src(%dma_wait3A_32 : memref<2000xi32, #tpu.memory_space<hbm>>) dst(%arg9 : memref<2000xi32, #tpu.memory_space<vmem>>)
      tpu.yield
    }) : () -> ()
    "tpu.region"() ({
      %run_scoped3A = tpu.sem_alloc : memref<!tpu.dma_semaphore, #tpu.memory_space<semaphore_mem>>
      %dma_start3A_29 = tpu.memref_slice %arg4[%add3A_10] : memref<6400000xi32, #tpu.memory_space<hbm>> -> memref<2000xi32, #tpu.memory_space<hbm>>
      %dma_start3A_30 = tpu.memref_slice %arg4[%add3A_10] : memref<6400000xi32, #tpu.memory_space<hbm>> -> memref<2000xi32, #tpu.memory_space<hbm>>
      tpu.enqueue_dma source(%dma_start3A_30 : memref<2000xi32, #tpu.memory_space<hbm>>) target(%arg13 : memref<2000xi32, #tpu.memory_space<vmem>>) target_semaphore(%run_scoped3A : memref<!tpu.dma_semaphore, #tpu.memory_space<semaphore_mem>>)
      %dma_wait3A_31 = tpu.memref_slice %arg4[%add3A_10] : memref<6400000xi32, #tpu.memory_space<hbm>> -> memref<2000xi32, #tpu.memory_space<hbm>>
      %dma_wait3A_32 = tpu.memref_slice %arg4[%add3A_10] : memref<6400000xi32, #tpu.memory_space<hbm>> -> memref<2000xi32, #tpu.memory_space<hbm>>
      tpu.wait_dma2 semaphore(%run_scoped3A : memref<!tpu.dma_semaphore, #tpu.memory_space<semaphore_mem>>) src(%dma_wait3A_32 : memref<2000xi32, #tpu.memory_space<hbm>>) dst(%arg13 : memref<2000xi32, #tpu.memory_space<vmem>>)
      tpu.yield
    }) : () -> ()
    %dma_start3A_11 = arith.constant 0 : i32
    %dma_start3A_12 = arith.constant 0 : i32
    %dma_start3A_13 = tpu.memref_slice %arg2[%dma_start3A_11, %dma_start3A_12] : memref<100000x8xf32, #tpu.memory_space<hbm>> -> memref<100000x8xf32, #tpu.memory_space<hbm>>
    tpu.enqueue_indirect_dma source(%dma_start3A_13 : memref<100000x8xf32, #tpu.memory_space<hbm>>) target(%arg17 : memref<2000x8xf32, #tpu.memory_space<vmem>>) offsets(%arg9 : memref<2000xi32, #tpu.memory_space<vmem>>) semaphore(%arg21 : memref<!tpu.dma_semaphore, #tpu.memory_space<semaphore_mem>>)
    %scan3A = arith.constant 0 : i32
    %scan3A_14 = arith.constant 0 : i32
    %scan3A_15 = arith.constant 25 : i32
    %scan3A_16 = arith.addi %scan3A_14, %scan3A_15 : i32
    %scan3A_17 = arith.constant 1 : i32
    scf.for %scan3A_29 = %scan3A_14 to %scan3A_16 step %scan3A_17  : i32 {
      %mul3A_30 = arith.constant 4 : i32
      %mul3A_31 = arith.muli %scan3A_29, %mul3A_30 : i32
      %add3A_32 = arith.constant 0 : i32
      %add3A_33 = arith.addi %mul3A_31, %add3A_32 : i32
      %dma_wait3A_34 = arith.constant 0 : i32
      %dma_wait3A_35 = arith.constant 0 : i32
      %dma_wait3A_36 = tpu.memref_slice %arg2[%dma_wait3A_34, %dma_wait3A_35] : memref<100000x8xf32, #tpu.memory_space<hbm>> -> memref<100000x8xf32, #tpu.memory_space<hbm>>
      tpu.wait_indirect_dma semaphore(%arg20 : memref<!tpu.dma_semaphore, #tpu.memory_space<semaphore_mem>>) src(%dma_wait3A_36 : memref<100000x8xf32, #tpu.memory_space<hbm>>) dst(%arg16 : memref<2000x8xf32, #tpu.memory_space<vmem>>)
      %dma_start3A_37 = arith.constant 0 : i32
      %dma_start3A_38 = arith.constant 0 : i32
      %dma_start3A_39 = tpu.memref_slice %arg7[%dma_start3A_37, %dma_start3A_38] : memref<100000x8xf32, #tpu.memory_space<vmem_shared>> -> memref<100000x8xf32, #tpu.memory_space<vmem_shared>>
      tpu.enqueue_indirect_dma source(%arg16 : memref<2000x8xf32, #tpu.memory_space<vmem>>) target(%dma_start3A_39 : memref<100000x8xf32, #tpu.memory_space<vmem_shared>>) offsets(%arg12 : memref<2000xi32, #tpu.memory_space<vmem>>) semaphore(%arg24 : memref<!tpu.dma_semaphore, #tpu.memory_space<semaphore_mem>>) {add = true}
      %ge3A = arith.constant 2 : i32
      %ge3A_40 = arith.cmpi sge, %add3A_33, %ge3A : i32
      %convert_element_type3A = arith.extui %ge3A_40 : i1 to i32
      %cond3A = arith.constant 0 : i32
      %cond3A_41 = arith.cmpi ne, %convert_element_type3A, %cond3A : i32
      scf.if %cond3A_41 {
        %dma_wait3A_114 = arith.constant 0 : i32
        %dma_wait3A_115 = arith.constant 0 : i32
        %dma_wait3A_116 = tpu.memref_slice %arg7[%dma_wait3A_114, %dma_wait3A_115] : memref<100000x8xf32, #tpu.memory_space<vmem_shared>> -> memref<100000x8xf32, #tpu.memory_space<vmem_shared>>
        tpu.wait_indirect_dma semaphore(%arg26 : memref<!tpu.dma_semaphore, #tpu.memory_space<semaphore_mem>>) src(%arg18 : memref<2000x8xf32, #tpu.memory_space<vmem>>) dst(%dma_wait3A_116 : memref<100000x8xf32, #tpu.memory_space<vmem_shared>>)
      } else {
      }
      %add3A_42 = arith.constant 2 : i32
      %add3A_43 = arith.addi %add3A_33, %add3A_42 : i32
      %lt3A = arith.constant 100 : i32
      %lt3A_44 = arith.cmpi slt, %add3A_43, %lt3A : i32
      %convert_element_type3A_45 = arith.extui %lt3A_44 : i1 to i32
      %cond3A_46 = arith.constant 0 : i32
      %cond3A_47 = arith.cmpi ne, %convert_element_type3A_45, %cond3A_46 : i32
      scf.if %cond3A_47 {
        %add3A_114 = arith.constant 2 : i32
        %add3A_115 = arith.addi %add3A_33, %add3A_114 : i32
        %mul3A_116 = arith.constant 2000 : i32
        %mul3A_117 = arith.muli %add3A_115, %mul3A_116 : i32
        %add3A_118 = arith.addi %mul3A_4, %mul3A_117 : i32
        "tpu.region"() ({
          %run_scoped3A = tpu.sem_alloc : memref<!tpu.dma_semaphore, #tpu.memory_space<semaphore_mem>>
          %dma_start3A_122 = tpu.memref_slice %arg3[%add3A_118] : memref<6400000xi32, #tpu.memory_space<hbm>> -> memref<2000xi32, #tpu.memory_space<hbm>>
          %dma_start3A_123 = tpu.memref_slice %arg3[%add3A_118] : memref<6400000xi32, #tpu.memory_space<hbm>> -> memref<2000xi32, #tpu.memory_space<hbm>>
          tpu.enqueue_dma source(%dma_start3A_123 : memref<2000xi32, #tpu.memory_space<hbm>>) target(%arg10 : memref<2000xi32, #tpu.memory_space<vmem>>) target_semaphore(%run_scoped3A : memref<!tpu.dma_semaphore, #tpu.memory_space<semaphore_mem>>)
          %dma_wait3A_124 = tpu.memref_slice %arg3[%add3A_118] : memref<6400000xi32, #tpu.memory_space<hbm>> -> memref<2000xi32, #tpu.memory_space<hbm>>
          %dma_wait3A_125 = tpu.memref_slice %arg3[%add3A_118] : memref<6400000xi32, #tpu.memory_space<hbm>> -> memref<2000xi32, #tpu.memory_space<hbm>>
          tpu.wait_dma2 semaphore(%run_scoped3A : memref<!tpu.dma_semaphore, #tpu.memory_space<semaphore_mem>>) src(%dma_wait3A_125 : memref<2000xi32, #tpu.memory_space<hbm>>) dst(%arg10 : memref<2000xi32, #tpu.memory_space<vmem>>)
          tpu.yield
        }) : () -> ()
        "tpu.region"() ({
          %run_scoped3A = tpu.sem_alloc : memref<!tpu.dma_semaphore, #tpu.memory_space<semaphore_mem>>
          %dma_start3A_122 = tpu.memref_slice %arg4[%add3A_118] : memref<6400000xi32, #tpu.memory_space<hbm>> -> memref<2000xi32, #tpu.memory_space<hbm>>
          %dma_start3A_123 = tpu.memref_slice %arg4[%add3A_118] : memref<6400000xi32, #tpu.memory_space<hbm>> -> memref<2000xi32, #tpu.memory_space<hbm>>
          tpu.enqueue_dma source(%dma_start3A_123 : memref<2000xi32, #tpu.memory_space<hbm>>) target(%arg14 : memref<2000xi32, #tpu.memory_space<vmem>>) target_semaphore(%run_scoped3A : memref<!tpu.dma_semaphore, #tpu.memory_space<semaphore_mem>>)
          %dma_wait3A_124 = tpu.memref_slice %arg4[%add3A_118] : memref<6400000xi32, #tpu.memory_space<hbm>> -> memref<2000xi32, #tpu.memory_space<hbm>>
          %dma_wait3A_125 = tpu.memref_slice %arg4[%add3A_118] : memref<6400000xi32, #tpu.memory_space<hbm>> -> memref<2000xi32, #tpu.memory_space<hbm>>
          tpu.wait_dma2 semaphore(%run_scoped3A : memref<!tpu.dma_semaphore, #tpu.memory_space<semaphore_mem>>) src(%dma_wait3A_125 : memref<2000xi32, #tpu.memory_space<hbm>>) dst(%arg14 : memref<2000xi32, #tpu.memory_space<vmem>>)
          tpu.yield
        }) : () -> ()
        %dma_start3A_119 = arith.constant 0 : i32
        %dma_start3A_120 = arith.constant 0 : i32
        %dma_start3A_121 = tpu.memref_slice %arg2[%dma_start3A_119, %dma_start3A_120] : memref<100000x8xf32, #tpu.memory_space<hbm>> -> memref<100000x8xf32, #tpu.memory_space<hbm>>
        tpu.enqueue_indirect_dma source(%dma_start3A_121 : memref<100000x8xf32, #tpu.memory_space<hbm>>) target(%arg18 : memref<2000x8xf32, #tpu.memory_space<vmem>>) offsets(%arg10 : memref<2000xi32, #tpu.memory_space<vmem>>) semaphore(%arg22 : memref<!tpu.dma_semaphore, #tpu.memory_space<semaphore_mem>>)
      } else {
      }
      %mul3A_48 = arith.constant 4 : i32
      %mul3A_49 = arith.muli %scan3A_29, %mul3A_48 : i32
      %add3A_50 = arith.constant 1 : i32
      %add3A_51 = arith.addi %mul3A_49, %add3A_50 : i32
      %dma_wait3A_52 = arith.constant 0 : i32
      %dma_wait3A_53 = arith.constant 0 : i32
      %dma_wait3A_54 = tpu.memref_slice %arg2[%dma_wait3A_52, %dma_wait3A_53] : memref<100000x8xf32, #tpu.memory_space<hbm>> -> memref<100000x8xf32, #tpu.memory_space<hbm>>
      tpu.wait_indirect_dma semaphore(%arg21 : memref<!tpu.dma_semaphore, #tpu.memory_space<semaphore_mem>>) src(%dma_wait3A_54 : memref<100000x8xf32, #tpu.memory_space<hbm>>) dst(%arg17 : memref<2000x8xf32, #tpu.memory_space<vmem>>)
      %dma_start3A_55 = arith.constant 0 : i32
      %dma_start3A_56 = arith.constant 0 : i32
      %dma_start3A_57 = tpu.memref_slice %arg7[%dma_start3A_55, %dma_start3A_56] : memref<100000x8xf32, #tpu.memory_space<vmem_shared>> -> memref<100000x8xf32, #tpu.memory_space<vmem_shared>>
      tpu.enqueue_indirect_dma source(%arg17 : memref<2000x8xf32, #tpu.memory_space<vmem>>) target(%dma_start3A_57 : memref<100000x8xf32, #tpu.memory_space<vmem_shared>>) offsets(%arg13 : memref<2000xi32, #tpu.memory_space<vmem>>) semaphore(%arg25 : memref<!tpu.dma_semaphore, #tpu.memory_space<semaphore_mem>>) {add = true}
      %ge3A_58 = arith.constant 2 : i32
      %ge3A_59 = arith.cmpi sge, %add3A_51, %ge3A_58 : i32
      %convert_element_type3A_60 = arith.extui %ge3A_59 : i1 to i32
      %cond3A_61 = arith.constant 0 : i32
      %cond3A_62 = arith.cmpi ne, %convert_element_type3A_60, %cond3A_61 : i32
      scf.if %cond3A_62 {
        %dma_wait3A_114 = arith.constant 0 : i32
        %dma_wait3A_115 = arith.constant 0 : i32
        %dma_wait3A_116 = tpu.memref_slice %arg7[%dma_wait3A_114, %dma_wait3A_115] : memref<100000x8xf32, #tpu.memory_space<vmem_shared>> -> memref<100000x8xf32, #tpu.memory_space<vmem_shared>>
        tpu.wait_indirect_dma semaphore(%arg27 : memref<!tpu.dma_semaphore, #tpu.memory_space<semaphore_mem>>) src(%arg19 : memref<2000x8xf32, #tpu.memory_space<vmem>>) dst(%dma_wait3A_116 : memref<100000x8xf32, #tpu.memory_space<vmem_shared>>)
      } else {
      }
      %add3A_63 = arith.constant 2 : i32
      %add3A_64 = arith.addi %add3A_51, %add3A_63 : i32
      %lt3A_65 = arith.constant 100 : i32
      %lt3A_66 = arith.cmpi slt, %add3A_64, %lt3A_65 : i32
      %convert_element_type3A_67 = arith.extui %lt3A_66 : i1 to i32
      %cond3A_68 = arith.constant 0 : i32
      %cond3A_69 = arith.cmpi ne, %convert_element_type3A_67, %cond3A_68 : i32
      scf.if %cond3A_69 {
        %add3A_114 = arith.constant 2 : i32
        %add3A_115 = arith.addi %add3A_51, %add3A_114 : i32
        %mul3A_116 = arith.constant 2000 : i32
        %mul3A_117 = arith.muli %add3A_115, %mul3A_116 : i32
        %add3A_118 = arith.addi %mul3A_4, %mul3A_117 : i32
        "tpu.region"() ({
          %run_scoped3A = tpu.sem_alloc : memref<!tpu.dma_semaphore, #tpu.memory_space<semaphore_mem>>
          %dma_start3A_122 = tpu.memref_slice %arg3[%add3A_118] : memref<6400000xi32, #tpu.memory_space<hbm>> -> memref<2000xi32, #tpu.memory_space<hbm>>
          %dma_start3A_123 = tpu.memref_slice %arg3[%add3A_118] : memref<6400000xi32, #tpu.memory_space<hbm>> -> memref<2000xi32, #tpu.memory_space<hbm>>
          tpu.enqueue_dma source(%dma_start3A_123 : memref<2000xi32, #tpu.memory_space<hbm>>) target(%arg11 : memref<2000xi32, #tpu.memory_space<vmem>>) target_semaphore(%run_scoped3A : memref<!tpu.dma_semaphore, #tpu.memory_space<semaphore_mem>>)
          %dma_wait3A_124 = tpu.memref_slice %arg3[%add3A_118] : memref<6400000xi32, #tpu.memory_space<hbm>> -> memref<2000xi32, #tpu.memory_space<hbm>>
          %dma_wait3A_125 = tpu.memref_slice %arg3[%add3A_118] : memref<6400000xi32, #tpu.memory_space<hbm>> -> memref<2000xi32, #tpu.memory_space<hbm>>
          tpu.wait_dma2 semaphore(%run_scoped3A : memref<!tpu.dma_semaphore, #tpu.memory_space<semaphore_mem>>) src(%dma_wait3A_125 : memref<2000xi32, #tpu.memory_space<hbm>>) dst(%arg11 : memref<2000xi32, #tpu.memory_space<vmem>>)
          tpu.yield
        }) : () -> ()
        "tpu.region"() ({
          %run_scoped3A = tpu.sem_alloc : memref<!tpu.dma_semaphore, #tpu.memory_space<semaphore_mem>>
          %dma_start3A_122 = tpu.memref_slice %arg4[%add3A_118] : memref<6400000xi32, #tpu.memory_space<hbm>> -> memref<2000xi32, #tpu.memory_space<hbm>>
          %dma_start3A_123 = tpu.memref_slice %arg4[%add3A_118] : memref<6400000xi32, #tpu.memory_space<hbm>> -> memref<2000xi32, #tpu.memory_space<hbm>>
          tpu.enqueue_dma source(%dma_start3A_123 : memref<2000xi32, #tpu.memory_space<hbm>>) target(%arg15 : memref<2000xi32, #tpu.memory_space<vmem>>) target_semaphore(%run_scoped3A : memref<!tpu.dma_semaphore, #tpu.memory_space<semaphore_mem>>)
          %dma_wait3A_124 = tpu.memref_slice %arg4[%add3A_118] : memref<6400000xi32, #tpu.memory_space<hbm>> -> memref<2000xi32, #tpu.memory_space<hbm>>
          %dma_wait3A_125 = tpu.memref_slice %arg4[%add3A_118] : memref<6400000xi32, #tpu.memory_space<hbm>> -> memref<2000xi32, #tpu.memory_space<hbm>>
          tpu.wait_dma2 semaphore(%run_scoped3A : memref<!tpu.dma_semaphore, #tpu.memory_space<semaphore_mem>>) src(%dma_wait3A_125 : memref<2000xi32, #tpu.memory_space<hbm>>) dst(%arg15 : memref<2000xi32, #tpu.memory_space<vmem>>)
          tpu.yield
        }) : () -> ()
        %dma_start3A_119 = arith.constant 0 : i32
        %dma_start3A_120 = arith.constant 0 : i32
        %dma_start3A_121 = tpu.memref_slice %arg2[%dma_start3A_119, %dma_start3A_120] : memref<100000x8xf32, #tpu.memory_space<hbm>> -> memref<100000x8xf32, #tpu.memory_space<hbm>>
        tpu.enqueue_indirect_dma source(%dma_start3A_121 : memref<100000x8xf32, #tpu.memory_space<hbm>>) target(%arg19 : memref<2000x8xf32, #tpu.memory_space<vmem>>) offsets(%arg11 : memref<2000xi32, #tpu.memory_space<vmem>>) semaphore(%arg23 : memref<!tpu.dma_semaphore, #tpu.memory_space<semaphore_mem>>)
      } else {
      }
      %mul3A_70 = arith.constant 4 : i32
      %mul3A_71 = arith.muli %scan3A_29, %mul3A_70 : i32
      %add3A_72 = arith.constant 2 : i32
      %add3A_73 = arith.addi %mul3A_71, %add3A_72 : i32
      %dma_wait3A_74 = arith.constant 0 : i32
      %dma_wait3A_75 = arith.constant 0 : i32
      %dma_wait3A_76 = tpu.memref_slice %arg2[%dma_wait3A_74, %dma_wait3A_75] : memref<100000x8xf32, #tpu.memory_space<hbm>> -> memref<100000x8xf32, #tpu.memory_space<hbm>>
      tpu.wait_indirect_dma semaphore(%arg22 : memref<!tpu.dma_semaphore, #tpu.memory_space<semaphore_mem>>) src(%dma_wait3A_76 : memref<100000x8xf32, #tpu.memory_space<hbm>>) dst(%arg18 : memref<2000x8xf32, #tpu.memory_space<vmem>>)
      %dma_start3A_77 = arith.constant 0 : i32
      %dma_start3A_78 = arith.constant 0 : i32
      %dma_start3A_79 = tpu.memref_slice %arg7[%dma_start3A_77, %dma_start3A_78] : memref<100000x8xf32, #tpu.memory_space<vmem_shared>> -> memref<100000x8xf32, #tpu.memory_space<vmem_shared>>
      tpu.enqueue_indirect_dma source(%arg18 : memref<2000x8xf32, #tpu.memory_space<vmem>>) target(%dma_start3A_79 : memref<100000x8xf32, #tpu.memory_space<vmem_shared>>) offsets(%arg14 : memref<2000xi32, #tpu.memory_space<vmem>>) semaphore(%arg26 : memref<!tpu.dma_semaphore, #tpu.memory_space<semaphore_mem>>) {add = true}
      %ge3A_80 = arith.constant 2 : i32
      %ge3A_81 = arith.cmpi sge, %add3A_73, %ge3A_80 : i32
      %convert_element_type3A_82 = arith.extui %ge3A_81 : i1 to i32
      %cond3A_83 = arith.constant 0 : i32
      %cond3A_84 = arith.cmpi ne, %convert_element_type3A_82, %cond3A_83 : i32
      scf.if %cond3A_84 {
        %dma_wait3A_114 = arith.constant 0 : i32
        %dma_wait3A_115 = arith.constant 0 : i32
        %dma_wait3A_116 = tpu.memref_slice %arg7[%dma_wait3A_114, %dma_wait3A_115] : memref<100000x8xf32, #tpu.memory_space<vmem_shared>> -> memref<100000x8xf32, #tpu.memory_space<vmem_shared>>
        tpu.wait_indirect_dma semaphore(%arg24 : memref<!tpu.dma_semaphore, #tpu.memory_space<semaphore_mem>>) src(%arg16 : memref<2000x8xf32, #tpu.memory_space<vmem>>) dst(%dma_wait3A_116 : memref<100000x8xf32, #tpu.memory_space<vmem_shared>>)
      } else {
      }
      %add3A_85 = arith.constant 2 : i32
      %add3A_86 = arith.addi %add3A_73, %add3A_85 : i32
      %lt3A_87 = arith.constant 100 : i32
      %lt3A_88 = arith.cmpi slt, %add3A_86, %lt3A_87 : i32
      %convert_element_type3A_89 = arith.extui %lt3A_88 : i1 to i32
      %cond3A_90 = arith.constant 0 : i32
      %cond3A_91 = arith.cmpi ne, %convert_element_type3A_89, %cond3A_90 : i32
      scf.if %cond3A_91 {
        %add3A_114 = arith.constant 2 : i32
        %add3A_115 = arith.addi %add3A_73, %add3A_114 : i32
        %mul3A_116 = arith.constant 2000 : i32
        %mul3A_117 = arith.muli %add3A_115, %mul3A_116 : i32
        %add3A_118 = arith.addi %mul3A_4, %mul3A_117 : i32
        "tpu.region"() ({
          %run_scoped3A = tpu.sem_alloc : memref<!tpu.dma_semaphore, #tpu.memory_space<semaphore_mem>>
          %dma_start3A_122 = tpu.memref_slice %arg3[%add3A_118] : memref<6400000xi32, #tpu.memory_space<hbm>> -> memref<2000xi32, #tpu.memory_space<hbm>>
          %dma_start3A_123 = tpu.memref_slice %arg3[%add3A_118] : memref<6400000xi32, #tpu.memory_space<hbm>> -> memref<2000xi32, #tpu.memory_space<hbm>>
          tpu.enqueue_dma source(%dma_start3A_123 : memref<2000xi32, #tpu.memory_space<hbm>>) target(%arg8 : memref<2000xi32, #tpu.memory_space<vmem>>) target_semaphore(%run_scoped3A : memref<!tpu.dma_semaphore, #tpu.memory_space<semaphore_mem>>)
          %dma_wait3A_124 = tpu.memref_slice %arg3[%add3A_118] : memref<6400000xi32, #tpu.memory_space<hbm>> -> memref<2000xi32, #tpu.memory_space<hbm>>
          %dma_wait3A_125 = tpu.memref_slice %arg3[%add3A_118] : memref<6400000xi32, #tpu.memory_space<hbm>> -> memref<2000xi32, #tpu.memory_space<hbm>>
          tpu.wait_dma2 semaphore(%run_scoped3A : memref<!tpu.dma_semaphore, #tpu.memory_space<semaphore_mem>>) src(%dma_wait3A_125 : memref<2000xi32, #tpu.memory_space<hbm>>) dst(%arg8 : memref<2000xi32, #tpu.memory_space<vmem>>)
          tpu.yield
        }) : () -> ()
        "tpu.region"() ({
          %run_scoped3A = tpu.sem_alloc : memref<!tpu.dma_semaphore, #tpu.memory_space<semaphore_mem>>
          %dma_start3A_122 = tpu.memref_slice %arg4[%add3A_118] : memref<6400000xi32, #tpu.memory_space<hbm>> -> memref<2000xi32, #tpu.memory_space<hbm>>
          %dma_start3A_123 = tpu.memref_slice %arg4[%add3A_118] : memref<6400000xi32, #tpu.memory_space<hbm>> -> memref<2000xi32, #tpu.memory_space<hbm>>
          tpu.enqueue_dma source(%dma_start3A_123 : memref<2000xi32, #tpu.memory_space<hbm>>) target(%arg12 : memref<2000xi32, #tpu.memory_space<vmem>>) target_semaphore(%run_scoped3A : memref<!tpu.dma_semaphore, #tpu.memory_space<semaphore_mem>>)
          %dma_wait3A_124 = tpu.memref_slice %arg4[%add3A_118] : memref<6400000xi32, #tpu.memory_space<hbm>> -> memref<2000xi32, #tpu.memory_space<hbm>>
          %dma_wait3A_125 = tpu.memref_slice %arg4[%add3A_118] : memref<6400000xi32, #tpu.memory_space<hbm>> -> memref<2000xi32, #tpu.memory_space<hbm>>
          tpu.wait_dma2 semaphore(%run_scoped3A : memref<!tpu.dma_semaphore, #tpu.memory_space<semaphore_mem>>) src(%dma_wait3A_125 : memref<2000xi32, #tpu.memory_space<hbm>>) dst(%arg12 : memref<2000xi32, #tpu.memory_space<vmem>>)
          tpu.yield
        }) : () -> ()
        %dma_start3A_119 = arith.constant 0 : i32
        %dma_start3A_120 = arith.constant 0 : i32
        %dma_start3A_121 = tpu.memref_slice %arg2[%dma_start3A_119, %dma_start3A_120] : memref<100000x8xf32, #tpu.memory_space<hbm>> -> memref<100000x8xf32, #tpu.memory_space<hbm>>
        tpu.enqueue_indirect_dma source(%dma_start3A_121 : memref<100000x8xf32, #tpu.memory_space<hbm>>) target(%arg16 : memref<2000x8xf32, #tpu.memory_space<vmem>>) offsets(%arg8 : memref<2000xi32, #tpu.memory_space<vmem>>) semaphore(%arg20 : memref<!tpu.dma_semaphore, #tpu.memory_space<semaphore_mem>>)
      } else {
      }
      %mul3A_92 = arith.constant 4 : i32
      %mul3A_93 = arith.muli %scan3A_29, %mul3A_92 : i32
      %add3A_94 = arith.constant 3 : i32
      %add3A_95 = arith.addi %mul3A_93, %add3A_94 : i32
      %dma_wait3A_96 = arith.constant 0 : i32
      %dma_wait3A_97 = arith.constant 0 : i32
      %dma_wait3A_98 = tpu.memref_slice %arg2[%dma_wait3A_96, %dma_wait3A_97] : memref<100000x8xf32, #tpu.memory_space<hbm>> -> memref<100000x8xf32, #tpu.memory_space<hbm>>
      tpu.wait_indirect_dma semaphore(%arg23 : memref<!tpu.dma_semaphore, #tpu.memory_space<semaphore_mem>>) src(%dma_wait3A_98 : memref<100000x8xf32, #tpu.memory_space<hbm>>) dst(%arg19 : memref<2000x8xf32, #tpu.memory_space<vmem>>)
      %dma_start3A_99 = arith.constant 0 : i32
      %dma_start3A_100 = arith.constant 0 : i32
      %dma_start3A_101 = tpu.memref_slice %arg7[%dma_start3A_99, %dma_start3A_100] : memref<100000x8xf32, #tpu.memory_space<vmem_shared>> -> memref<100000x8xf32, #tpu.memory_space<vmem_shared>>
      tpu.enqueue_indirect_dma source(%arg19 : memref<2000x8xf32, #tpu.memory_space<vmem>>) target(%dma_start3A_101 : memref<100000x8xf32, #tpu.memory_space<vmem_shared>>) offsets(%arg15 : memref<2000xi32, #tpu.memory_space<vmem>>) semaphore(%arg27 : memref<!tpu.dma_semaphore, #tpu.memory_space<semaphore_mem>>) {add = true}
      %ge3A_102 = arith.constant 2 : i32
      %ge3A_103 = arith.cmpi sge, %add3A_95, %ge3A_102 : i32
      %convert_element_type3A_104 = arith.extui %ge3A_103 : i1 to i32
      %cond3A_105 = arith.constant 0 : i32
      %cond3A_106 = arith.cmpi ne, %convert_element_type3A_104, %cond3A_105 : i32
      scf.if %cond3A_106 {
        %dma_wait3A_114 = arith.constant 0 : i32
        %dma_wait3A_115 = arith.constant 0 : i32
        %dma_wait3A_116 = tpu.memref_slice %arg7[%dma_wait3A_114, %dma_wait3A_115] : memref<100000x8xf32, #tpu.memory_space<vmem_shared>> -> memref<100000x8xf32, #tpu.memory_space<vmem_shared>>
        tpu.wait_indirect_dma semaphore(%arg25 : memref<!tpu.dma_semaphore, #tpu.memory_space<semaphore_mem>>) src(%arg17 : memref<2000x8xf32, #tpu.memory_space<vmem>>) dst(%dma_wait3A_116 : memref<100000x8xf32, #tpu.memory_space<vmem_shared>>)
      } else {
      }
      %add3A_107 = arith.constant 2 : i32
      %add3A_108 = arith.addi %add3A_95, %add3A_107 : i32
      %lt3A_109 = arith.constant 100 : i32
      %lt3A_110 = arith.cmpi slt, %add3A_108, %lt3A_109 : i32
      %convert_element_type3A_111 = arith.extui %lt3A_110 : i1 to i32
      %cond3A_112 = arith.constant 0 : i32
      %cond3A_113 = arith.cmpi ne, %convert_element_type3A_111, %cond3A_112 : i32
      scf.if %cond3A_113 {
        %add3A_114 = arith.constant 2 : i32
        %add3A_115 = arith.addi %add3A_95, %add3A_114 : i32
        %mul3A_116 = arith.constant 2000 : i32
        %mul3A_117 = arith.muli %add3A_115, %mul3A_116 : i32
        %add3A_118 = arith.addi %mul3A_4, %mul3A_117 : i32
        "tpu.region"() ({
          %run_scoped3A = tpu.sem_alloc : memref<!tpu.dma_semaphore, #tpu.memory_space<semaphore_mem>>
          %dma_start3A_122 = tpu.memref_slice %arg3[%add3A_118] : memref<6400000xi32, #tpu.memory_space<hbm>> -> memref<2000xi32, #tpu.memory_space<hbm>>
          %dma_start3A_123 = tpu.memref_slice %arg3[%add3A_118] : memref<6400000xi32, #tpu.memory_space<hbm>> -> memref<2000xi32, #tpu.memory_space<hbm>>
          tpu.enqueue_dma source(%dma_start3A_123 : memref<2000xi32, #tpu.memory_space<hbm>>) target(%arg9 : memref<2000xi32, #tpu.memory_space<vmem>>) target_semaphore(%run_scoped3A : memref<!tpu.dma_semaphore, #tpu.memory_space<semaphore_mem>>)
          %dma_wait3A_124 = tpu.memref_slice %arg3[%add3A_118] : memref<6400000xi32, #tpu.memory_space<hbm>> -> memref<2000xi32, #tpu.memory_space<hbm>>
          %dma_wait3A_125 = tpu.memref_slice %arg3[%add3A_118] : memref<6400000xi32, #tpu.memory_space<hbm>> -> memref<2000xi32, #tpu.memory_space<hbm>>
          tpu.wait_dma2 semaphore(%run_scoped3A : memref<!tpu.dma_semaphore, #tpu.memory_space<semaphore_mem>>) src(%dma_wait3A_125 : memref<2000xi32, #tpu.memory_space<hbm>>) dst(%arg9 : memref<2000xi32, #tpu.memory_space<vmem>>)
          tpu.yield
        }) : () -> ()
        "tpu.region"() ({
          %run_scoped3A = tpu.sem_alloc : memref<!tpu.dma_semaphore, #tpu.memory_space<semaphore_mem>>
          %dma_start3A_122 = tpu.memref_slice %arg4[%add3A_118] : memref<6400000xi32, #tpu.memory_space<hbm>> -> memref<2000xi32, #tpu.memory_space<hbm>>
          %dma_start3A_123 = tpu.memref_slice %arg4[%add3A_118] : memref<6400000xi32, #tpu.memory_space<hbm>> -> memref<2000xi32, #tpu.memory_space<hbm>>
          tpu.enqueue_dma source(%dma_start3A_123 : memref<2000xi32, #tpu.memory_space<hbm>>) target(%arg13 : memref<2000xi32, #tpu.memory_space<vmem>>) target_semaphore(%run_scoped3A : memref<!tpu.dma_semaphore, #tpu.memory_space<semaphore_mem>>)
          %dma_wait3A_124 = tpu.memref_slice %arg4[%add3A_118] : memref<6400000xi32, #tpu.memory_space<hbm>> -> memref<2000xi32, #tpu.memory_space<hbm>>
          %dma_wait3A_125 = tpu.memref_slice %arg4[%add3A_118] : memref<6400000xi32, #tpu.memory_space<hbm>> -> memref<2000xi32, #tpu.memory_space<hbm>>
          tpu.wait_dma2 semaphore(%run_scoped3A : memref<!tpu.dma_semaphore, #tpu.memory_space<semaphore_mem>>) src(%dma_wait3A_125 : memref<2000xi32, #tpu.memory_space<hbm>>) dst(%arg13 : memref<2000xi32, #tpu.memory_space<vmem>>)
          tpu.yield
        }) : () -> ()
        %dma_start3A_119 = arith.constant 0 : i32
        %dma_start3A_120 = arith.constant 0 : i32
        %dma_start3A_121 = tpu.memref_slice %arg2[%dma_start3A_119, %dma_start3A_120] : memref<100000x8xf32, #tpu.memory_space<hbm>> -> memref<100000x8xf32, #tpu.memory_space<hbm>>
        tpu.enqueue_indirect_dma source(%dma_start3A_121 : memref<100000x8xf32, #tpu.memory_space<hbm>>) target(%arg17 : memref<2000x8xf32, #tpu.memory_space<vmem>>) offsets(%arg9 : memref<2000xi32, #tpu.memory_space<vmem>>) semaphore(%arg21 : memref<!tpu.dma_semaphore, #tpu.memory_space<semaphore_mem>>)
      } else {
      }
    }
    %scan3A_18 = arith.constant 25 : i32
    %dma_wait3A = arith.constant 0 : i32
    %dma_wait3A_19 = arith.constant 0 : i32
    %dma_wait3A_20 = tpu.memref_slice %arg7[%dma_wait3A, %dma_wait3A_19] : memref<100000x8xf32, #tpu.memory_space<vmem_shared>> -> memref<100000x8xf32, #tpu.memory_space<vmem_shared>>
    tpu.wait_indirect_dma semaphore(%arg26 : memref<!tpu.dma_semaphore, #tpu.memory_space<semaphore_mem>>) src(%arg18 : memref<2000x8xf32, #tpu.memory_space<vmem>>) dst(%dma_wait3A_20 : memref<100000x8xf32, #tpu.memory_space<vmem_shared>>)
    %dma_wait3A_21 = arith.constant 0 : i32
    %dma_wait3A_22 = arith.constant 0 : i32
    %dma_wait3A_23 = tpu.memref_slice %arg7[%dma_wait3A_21, %dma_wait3A_22] : memref<100000x8xf32, #tpu.memory_space<vmem_shared>> -> memref<100000x8xf32, #tpu.memory_space<vmem_shared>>
    tpu.wait_indirect_dma semaphore(%arg27 : memref<!tpu.dma_semaphore, #tpu.memory_space<semaphore_mem>>) src(%arg19 : memref<2000x8xf32, #tpu.memory_space<vmem>>) dst(%dma_wait3A_23 : memref<100000x8xf32, #tpu.memory_space<vmem_shared>>)
    %barrier3A_24 = arith.constant 0 : index
    tpu.barrier barrier_id(%barrier3A_24)
    %mul3A_25 = arith.constant 6250 : i32
    %mul3A_26 = arith.muli %arg1, %mul3A_25 : i32
    %mul3A_27 = arith.constant 6250 : i32
    %mul3A_28 = arith.muli %arg1, %mul3A_27 : i32
    "tpu.region"() ({
      %run_scoped3A = tpu.sem_alloc : memref<!tpu.dma_semaphore, #tpu.memory_space<semaphore_mem>>
      %dma_start3A_29 = arith.constant 0 : i32
      %dma_start3A_30 = tpu.memref_slice %arg6[%arg0, %mul3A_28, %dma_start3A_29] : memref<2x100000x8xf32, #tpu.memory_space<hbm>> -> memref<1x6250x8xf32, #tpu.memory_space<hbm>>
      %dma_start3A_31 = tpu.memref_squeeze %dma_start3A_30 : memref<1x6250x8xf32, #tpu.memory_space<hbm>> -> memref<6250x8xf32, #tpu.memory_space<hbm>>
      %dma_start3A_32 = arith.constant 0 : i32
      %dma_start3A_33 = tpu.memref_slice %arg7[%mul3A_26, %dma_start3A_32] : memref<100000x8xf32, #tpu.memory_space<vmem_shared>> -> memref<6250x8xf32, #tpu.memory_space<vmem_shared>>
      tpu.enqueue_dma source(%dma_start3A_33 : memref<6250x8xf32, #tpu.memory_space<vmem_shared>>) target(%dma_start3A_31 : memref<6250x8xf32, #tpu.memory_space<hbm>>) target_semaphore(%run_scoped3A : memref<!tpu.dma_semaphore, #tpu.memory_space<semaphore_mem>>)
      %dma_wait3A_34 = arith.constant 0 : i32
      %dma_wait3A_35 = tpu.memref_slice %arg6[%arg0, %mul3A_28, %dma_wait3A_34] : memref<2x100000x8xf32, #tpu.memory_space<hbm>> -> memref<1x6250x8xf32, #tpu.memory_space<hbm>>
      %dma_wait3A_36 = tpu.memref_squeeze %dma_wait3A_35 : memref<1x6250x8xf32, #tpu.memory_space<hbm>> -> memref<6250x8xf32, #tpu.memory_space<hbm>>
      %dma_wait3A_37 = arith.constant 0 : i32
      %dma_wait3A_38 = tpu.memref_slice %arg7[%mul3A_26, %dma_wait3A_37] : memref<100000x8xf32, #tpu.memory_space<vmem_shared>> -> memref<6250x8xf32, #tpu.memory_space<vmem_shared>>
      tpu.wait_dma2 semaphore(%run_scoped3A : memref<!tpu.dma_semaphore, #tpu.memory_space<semaphore_mem>>) src(%dma_wait3A_38 : memref<6250x8xf32, #tpu.memory_space<vmem_shared>>) dst(%dma_wait3A_36 : memref<6250x8xf32, #tpu.memory_space<hbm>>)
      tpu.yield
    }) : () -> ()
    return
  }
}

module attributes {stable_mosaic.version = 14 : i64} {
  func.func @body(%arg0: memref<2x6250x128xf32, #tpu.memory_space<vmem>>, %arg1: memref<6250x128xf32, #tpu.memory_space<vmem>>, %arg2: memref<128x128xf32, #tpu.memory_space<vmem>>, %arg3: memref<128x128xf32, #tpu.memory_space<vmem>>, %arg4: memref<128x128xf32, #tpu.memory_space<vmem>>, %arg5: memref<6250x128xf32, #tpu.memory_space<vmem>>, %arg6: memref<6250x128xf32, #tpu.memory_space<vmem>>) attributes {dimension_semantics = [], scalar_prefetch = 0 : i64, scratch_operands = 0 : i64, tpu.core_type = #tpu.core_type<tc>} {
    %get3A = arith.constant 0 : index
    %get3A_0 = arith.constant 0 : index
    %get3A_1 = arith.constant 0 : index
    %get3A_2 = vector.load %arg0[%get3A, %get3A_0, %get3A_1] : memref<2x6250x128xf32, #tpu.memory_space<vmem>>, vector<1x6250x128xf32>
    %get3A_3 = vector.shape_cast %get3A_2 : vector<1x6250x128xf32> to vector<6250x128xf32>
    %get3A_4 = arith.constant 1 : index
    %get3A_5 = arith.constant 0 : index
    %get3A_6 = arith.constant 0 : index
    %get3A_7 = vector.load %arg0[%get3A_4, %get3A_5, %get3A_6] : memref<2x6250x128xf32, #tpu.memory_space<vmem>>, vector<1x6250x128xf32>
    %get3A_8 = vector.shape_cast %get3A_7 : vector<1x6250x128xf32> to vector<6250x128xf32>
    %add3A = arith.addf %get3A_3, %get3A_8 : vector<6250x128xf32>
    %get3A_9 = arith.constant 0 : index
    %get3A_10 = arith.constant 0 : index
    %get3A_11 = vector.load %arg4[%get3A_9, %get3A_10] : memref<128x128xf32, #tpu.memory_space<vmem>>, vector<128x128xf32>
    %dot_general3A = arith.constant dense<0.000000e+00> : vector<6250x128xf32>
    %dot_general3A_12 = tpu.matmul %add3A, %get3A_11, %dot_general3A {dimension_numbers = #tpu.dot_dimension_numbers<[1], [0], [0], [1], [0, 0, 1, 1], [], []>, transpose_lhs_hint = false} : vector<6250x128xf32>, vector<128x128xf32>, vector<6250x128xf32> -> vector<6250x128xf32>
    %max3A = arith.constant 1.000000e+00 : f32
    %max3A_13 = vector.broadcast %max3A : f32 to vector<6250x128xf32>
    %max3A_14 = arith.maximumf %dot_general3A_12, %max3A_13 : vector<6250x128xf32>
    %div3A = arith.constant 1.000000e+00 : f32
    %div3A_15 = vector.broadcast %div3A : f32 to vector<6250x128xf32>
    %div3A_16 = arith.divf %div3A_15, %max3A_14 : vector<6250x128xf32>
    %swap3A = arith.constant 0 : index
    %swap3A_17 = arith.constant 0 : index
    %swap3A_18 = vector.load %arg6[%swap3A, %swap3A_17] : memref<6250x128xf32, #tpu.memory_space<vmem>>, vector<6250x128xf32>
    tpu.vector_store %arg6[%swap3A, %swap3A_17], %div3A_16 {strides = array<i32>} : memref<6250x128xf32, #tpu.memory_space<vmem>>, vector<6250x128xf32>,
    %mul3A = arith.mulf %add3A, %div3A_16 : vector<6250x128xf32>
    %get3A_19 = arith.constant 0 : index
    %get3A_20 = arith.constant 0 : index
    %get3A_21 = vector.load %arg2[%get3A_19, %get3A_20] : memref<128x128xf32, #tpu.memory_space<vmem>>, vector<128x128xf32>
    %dot_general3A_22 = arith.constant dense<0.000000e+00> : vector<6250x128xf32>
    %dot_general3A_23 = tpu.matmul %mul3A, %get3A_21, %dot_general3A_22 {dimension_numbers = #tpu.dot_dimension_numbers<[1], [0], [0], [1], [0, 0, 1, 1], [], []>, transpose_lhs_hint = false} : vector<6250x128xf32>, vector<128x128xf32>, vector<6250x128xf32> -> vector<6250x128xf32>
    %get3A_24 = arith.constant 0 : index
    %get3A_25 = arith.constant 0 : index
    %get3A_26 = vector.load %arg1[%get3A_24, %get3A_25] : memref<6250x128xf32, #tpu.memory_space<vmem>>, vector<6250x128xf32>
    %get3A_27 = arith.constant 0 : index
    %get3A_28 = arith.constant 0 : index
    %get3A_29 = vector.load %arg3[%get3A_27, %get3A_28] : memref<128x128xf32, #tpu.memory_space<vmem>>, vector<128x128xf32>
    %dot_general3A_30 = arith.constant dense<0.000000e+00> : vector<6250x128xf32>
    %dot_general3A_31 = tpu.matmul %get3A_26, %get3A_29, %dot_general3A_30 {dimension_numbers = #tpu.dot_dimension_numbers<[1], [0], [0], [1], [0, 0, 1, 1], [], []>, transpose_lhs_hint = false} : vector<6250x128xf32>, vector<128x128xf32>, vector<6250x128xf32> -> vector<6250x128xf32>
    %add3A_32 = arith.addf %dot_general3A_23, %dot_general3A_31 : vector<6250x128xf32>
    %max3A_33 = arith.constant 0.000000e+00 : f32
    %max3A_34 = vector.broadcast %max3A_33 : f32 to vector<6250x128xf32>
    %max3A_35 = arith.maximumf %add3A_32, %max3A_34 : vector<6250x128xf32>
    %swap3A_36 = arith.constant 0 : index
    %swap3A_37 = arith.constant 0 : index
    %swap3A_38 = vector.load %arg5[%swap3A_36, %swap3A_37] : memref<6250x128xf32, #tpu.memory_space<vmem>>, vector<6250x128xf32>
    tpu.vector_store %arg5[%swap3A_36, %swap3A_37], %max3A_35 {strides = array<i32>} : memref<6250x128xf32, #tpu.memory_space<vmem>>, vector<6250x128xf32>,
    return
  }
}

module attributes {stable_mosaic.version = 14 : i64} {
  func.func @body(%arg0: memref<2x6250x128xf32, #tpu.memory_space<vmem>>, %arg1: memref<6250x128xf32, #tpu.memory_space<vmem>>, %arg2: memref<6250x128xf32, #tpu.memory_space<vmem>>, %arg3: memref<128x128xf32, #tpu.memory_space<vmem>>, %arg4: memref<128x128xf32, #tpu.memory_space<vmem>>, %arg5: memref<128xf32, #tpu.memory_space<vmem>>, %arg6: memref<6250x128xf32, #tpu.memory_space<vmem>>) attributes {dimension_semantics = [], scalar_prefetch = 0 : i64, scratch_operands = 0 : i64, tpu.core_type = #tpu.core_type<tc>} {
    %get3A = arith.constant 0 : index
    %get3A_0 = arith.constant 0 : index
    %get3A_1 = arith.constant 0 : index
    %get3A_2 = vector.load %arg0[%get3A, %get3A_0, %get3A_1] : memref<2x6250x128xf32, #tpu.memory_space<vmem>>, vector<1x6250x128xf32>
    %get3A_3 = vector.shape_cast %get3A_2 : vector<1x6250x128xf32> to vector<6250x128xf32>
    %get3A_4 = arith.constant 1 : index
    %get3A_5 = arith.constant 0 : index
    %get3A_6 = arith.constant 0 : index
    %get3A_7 = vector.load %arg0[%get3A_4, %get3A_5, %get3A_6] : memref<2x6250x128xf32, #tpu.memory_space<vmem>>, vector<1x6250x128xf32>
    %get3A_8 = vector.shape_cast %get3A_7 : vector<1x6250x128xf32> to vector<6250x128xf32>
    %add3A = arith.addf %get3A_3, %get3A_8 : vector<6250x128xf32>
    %get3A_9 = arith.constant 0 : index
    %get3A_10 = arith.constant 0 : index
    %get3A_11 = vector.load %arg2[%get3A_9, %get3A_10] : memref<6250x128xf32, #tpu.memory_space<vmem>>, vector<6250x128xf32>
    %mul3A = arith.mulf %add3A, %get3A_11 : vector<6250x128xf32>
    %get3A_12 = arith.constant 0 : index
    %get3A_13 = arith.constant 0 : index
    %get3A_14 = vector.load %arg3[%get3A_12, %get3A_13] : memref<128x128xf32, #tpu.memory_space<vmem>>, vector<128x128xf32>
    %dot_general3A = arith.constant dense<0.000000e+00> : vector<6250x128xf32>
    %dot_general3A_15 = tpu.matmul %mul3A, %get3A_14, %dot_general3A {dimension_numbers = #tpu.dot_dimension_numbers<[1], [0], [0], [1], [0, 0, 1, 1], [], []>, transpose_lhs_hint = false} : vector<6250x128xf32>, vector<128x128xf32>, vector<6250x128xf32> -> vector<6250x128xf32>
    %get3A_16 = arith.constant 0 : index
    %get3A_17 = arith.constant 0 : index
    %get3A_18 = vector.load %arg1[%get3A_16, %get3A_17] : memref<6250x128xf32, #tpu.memory_space<vmem>>, vector<6250x128xf32>
    %get3A_19 = arith.constant 0 : index
    %get3A_20 = arith.constant 0 : index
    %get3A_21 = vector.load %arg4[%get3A_19, %get3A_20] : memref<128x128xf32, #tpu.memory_space<vmem>>, vector<128x128xf32>
    %dot_general3A_22 = arith.constant dense<0.000000e+00> : vector<6250x128xf32>
    %dot_general3A_23 = tpu.matmul %get3A_18, %get3A_21, %dot_general3A_22 {dimension_numbers = #tpu.dot_dimension_numbers<[1], [0], [0], [1], [0, 0, 1, 1], [], []>, transpose_lhs_hint = false} : vector<6250x128xf32>, vector<128x128xf32>, vector<6250x128xf32> -> vector<6250x128xf32>
    %add3A_24 = arith.addf %dot_general3A_15, %dot_general3A_23 : vector<6250x128xf32>
    %get3A_25 = arith.constant 0 : index
    %get3A_26 = vector.load %arg5[%get3A_25] : memref<128xf32, #tpu.memory_space<vmem>>, vector<128xf32>
    %broadcast_in_dim3A = vector.shape_cast %get3A_26 : vector<128xf32> to vector<1x128xf32>
    %add3A_27 = vector.broadcast %broadcast_in_dim3A : vector<1x128xf32> to vector<6250x128xf32>
    %add3A_28 = arith.addf %add3A_24, %add3A_27 : vector<6250x128xf32>
    %swap3A = arith.constant 0 : index
    %swap3A_29 = arith.constant 0 : index
    %swap3A_30 = vector.load %arg6[%swap3A, %swap3A_29] : memref<6250x128xf32, #tpu.memory_space<vmem>>, vector<6250x128xf32>
    tpu.vector_store %arg6[%swap3A, %swap3A_29], %add3A_28 {strides = array<i32>} : memref<6250x128xf32, #tpu.memory_space<vmem>>, vector<6250x128xf32>,
    return
  }
}

</mosaic_0001>

<sc_bundles>
// kernel: kernel.6.cloned.1.call-start
scs
__scs_entry_jumppad:
0x0: {  	(pc) =	sbr.rel $0x88, $3  }
0x1: {  	(tag) =	ssettag $0x0;
	lr =	simm.s32 $0x1  }
0x2: {  	[smem:$0x3F99] =	sst lr;
	_ =	strace $0xD0000000  }
0x3: {  	_ = 	snop  }
0x4: {  	_ = 	snop  }
0x5: {  	_ = 	snop  }
0x6: {  	_ = 	snop  }
0x7: {  	_ = 	snop  }
__scs_overlays_trampoline_lowered:
0x8: {  	[smem:$0x3FA8] =	sst s0  }
0x9: {  	[smem:$0x3FA9] =	sst s1  }
0xa: {  	[smem:$0x3FAA] =	sst s2  }
0xb: {  	[smem:$0x3FAB] =	sst s3  }
0xc: {  	[smem:$0x3FAC] =	sst s4  }
0xd: {  	[smem:$0x3FAD] =	sst s5  }
0xe: {  	[smem:$0x3FAE] =	sst s6  }
0xf: {  	[smem:$0x3FAF] =	sst s7  }
0x10: {  	[smem:$0x3FB0] =	sst s8  }
0x11: {  	[smem:$0x3FB1] =	sst s9;
	s0 =	simm.s32 @!p0 $0x0  }
0x12: {  	s1 =	sld [smem:$0x3F97];
	s0 =	simm.s32 @p0 $0x1  }
0x13: {  	[smem:$0x3FB2] =	sst s0;
	s0 =	simm.s32 @!p1 $0x0  }
0x14: {  	s2 =	sld [smem:$0x3F96];
	s0 =	simm.s32 @p1 $0x1  }
0x15: {  	[smem:$0x3FB3] =	sst s0;
	s0 =	simm.s32 @!p2 $0x0  }
0x16: {  	s3 =	sld [smem:$0x3FDB];
	s0 =	simm.s32 @p2 $0x1  }
0x17: {  	s4 =	simm.s32 $0x1BF5;
	[smem:$0x3FB5] =	sst s0  }
0x18: {  	s0 =	sld [smem:$0x3F98];
	_ =	swait.ge [sflag:s4], $0x0  }
0x19: {  	s7 =	sld [smem:$0x3F99]  }
0x1a: {  	s8 =	sadd.s32 $0xFFFFE003, lr  }
0x1b: {  	s9 =	sadd.s32 $0xFFFFFEF7, lr;
	s5 =	simm.s32 $0xFFFFFFFF;
	p2 =	slt.u32 s8, $0xFFFFF086  }
0x1c: {  	p1 =	slt.u32 s9, $0xF7A;
	s5 =	simm.s32 @!p2 $0x0  }
0x1d: {  	s5 =	simm.s32 @p1 $0x1;
	p0 =	seq.s32 s7, s2  }
0x1e: {  	s7 =	smul.u32 @!p0 $0xF7A, s2;
	p2 =	seq.s32 @!p0 s5, $0x0  }
0x1f: {  	s9 =	smul.u32 $0xF7A, s1;
	s8 =	simm.s32 @!p0 $0x1BF5;
	p2 =	por !p2, p0  }
0x20: {  	[sflag:s8] =	ssyncset.s32 @!p0 $0xFFFFF086;
	s6 =	sadd.s32 @!p0 s3, s7;
	s7 =	simm.s32 @!p0 $0x108  }
0x21: {  	s3 =	sadd.s32 s3, s9;
	s6 =	sadd.s32 @!p0 $0x88, s6;
	s7 =	simm.s32 @p2 $0x1082  }
0x22: {  	[simem:s7], [sflag:s8] =	dma.local @!p0 [hbm:s6], $0xF7A  }
0x23: {  	s9 =	sor.u32 $0xD0000000, s2;
	s6 =	simm.s32 $0x108;
	_ =	swait.ge @!p0 [sflag:s8], $0x0  }
0x24: {  	s3 =	sadd.s32 $0x88, s3;
	s6 =	simm.s32 @!p1 $0x1082;
	[sflag:s4] =	ssyncset.s32 $0xFFFFF086  }
0x25: {  	[simem:s6], [sflag:s4] =	dma.local [hbm:s3], $0xF7A  }
0x26: {  	[smem:$0x3F99] =	sst s1;
	(tag) =	ssettag s2;
	_ =	strace s9  }
0x27: {  	s1 =	sld [smem:$0x3FA9]  }
0x28: {  	s2 =	sld [smem:$0x3FAA]  }
0x29: {  	s4 =	sld [smem:$0x3FAC]  }
0x2a: {  	p0 =	seq.s32 s5, $0x0;
	s5 =	sld [smem:$0x3FAD]  }
0x2b: {  	s6 =	sld [smem:$0x3FAE]  }
0x2c: {  	s7 =	sld [smem:$0x3FAF]  }
0x2d: {  	s3 =	simm.s32 $0x108;
	s8 =	sld [smem:$0x3FB0]  }
0x2e: {  	s3 =	simm.s32 @!p0 $0x1082;
	s9 =	sld [smem:$0x3FB1]  }
0x2f: {  	lr =	sadd.s32 s0, s3;
	s0 =	sld [smem:$0x3FA8]  }
0x30: {  	s3 =	sld [smem:$0x3FAB]  }
0x31: {  	[smem:$0x3FB4] =	sst s10  }
0x32: {  	s10 =	sld [smem:$0x3FB2];
	_ =	sdelay $0x3  }
0x33: {  	p0 =	seq.s32 s10, $0x1;
	s10 =	sld [smem:$0x3FB4];
	_ =	sdelay $0x3  }
0x34: {  	[smem:$0x3FB4] =	sst s10  }
0x35: {  	s10 =	sld [smem:$0x3FB3];
	_ =	sdelay $0x3  }
0x36: {  	p1 =	seq.s32 s10, $0x1;
	s10 =	sld [smem:$0x3FB4];
	_ =	sdelay $0x3  }
0x37: {  	[smem:$0x3FB4] =	sst s10  }
0x38: {  	s10 =	sld [smem:$0x3FB5]  }
0x39: {  	_ = 	snop;
	(pc) =	sbr.ind lr, $3  }
0x3a: {  	_ = 	snop  }
0x3b: {  	_ = 	snop  }
0x3c: {  	p2 =	seq.s32 s10, $0x1;
	s10 =	sld [smem:$0x3FB4]  }
0x3d: {  	_ =	shalt  }
0x3e: {  	_ =	shalt  }
0x3f: {  	_ =	shalt  }
0x40: {  	_ =	shalt  }
0x41: {  	_ =	shalt  }
0x42: {  	_ =	shalt  }
0x43: {  	_ =	shalt  }
0x44: {  	_ =	shalt  }
0x45: {  	_ =	shalt  }
0x46: {  	_ =	shalt  }
0x47: {  	_ =	shalt  }
0x48: {  	_ =	shalt  }
0x49: {  	_ =	shalt  }
0x4a: {  	_ =	shalt  }
0x4b: {  	_ =	shalt  }
0x4c: {  	_ =	shalt  }
0x4d: {  	_ =	shalt  }
0x4e: {  	_ =	shalt  }
0x4f: {  	_ =	shalt  }
0x50: {  	_ =	shalt  }
0x51: {  	_ =	shalt  }
0x52: {  	_ =	shalt  }
0x53: {  	_ =	shalt  }
0x54: {  	_ =	shalt  }
0x55: {  	_ =	shalt  }
0x56: {  	_ =	shalt  }
0x57: {  	_ =	shalt  }
0x58: {  	_ =	shalt  }
0x59: {  	_ =	shalt  }
0x5a: {  	_ =	shalt  }
0x5b: {  	_ =	shalt  }
0x5c: {  	_ =	shalt  }
0x5d: {  	_ =	shalt  }
0x5e: {  	_ =	shalt  }
0x5f: {  	_ =	shalt  }
0x60: {  	_ =	shalt  }
0x61: {  	_ =	shalt  }
0x62: {  	_ =	shalt  }
0x63: {  	_ =	shalt  }
0x64: {  	_ =	shalt  }
0x65: {  	_ =	shalt  }
0x66: {  	_ =	shalt  }
0x67: {  	_ =	shalt  }
0x68: {  	_ =	shalt  }
0x69: {  	_ =	shalt  }
0x6a: {  	_ =	shalt  }
0x6b: {  	_ =	shalt  }
0x6c: {  	_ =	shalt  }
0x6d: {  	_ =	shalt  }
0x6e: {  	_ =	shalt  }
0x6f: {  	_ =	shalt  }
0x70: {  	_ =	shalt  }
0x71: {  	_ =	shalt  }
0x72: {  	_ =	shalt  }
0x73: {  	_ =	shalt  }
0x74: {  	_ =	shalt  }
0x75: {  	_ =	shalt  }
0x76: {  	_ =	shalt  }
0x77: {  	_ =	shalt  }
0x78: {  	_ =	shalt  }
0x79: {  	_ =	shalt  }
0x7a: {  	_ =	shalt  }
0x7b: {  	_ =	shalt  }
0x7c: {  	_ =	shalt  }
0x7d: {  	_ =	shalt  }
0x7e: {  	_ =	shalt  }
0x7f: {  	_ =	shalt  }
0x80: {  	_ =	shalt  }
0x81: {  	_ =	shalt  }
0x82: {  	_ =	shalt  }
0x83: {  	_ =	shalt  }
0x84: {  	_ =	shalt  }
0x85: {  	_ =	shalt  }
0x86: {  	_ =	shalt  }
0x87: {  	_ =	shalt  }
.Lfunc_end0:
.L_simem_size_0:
called_computation_lowered:
.L_overlay_start_0:
0x88: {  	s2 =	sld [smem:$0x3FD9]  }
0x89: {  	s3 =	sld [smem:$0x3FFE];
	_ =	sdelay $0x1  }
0x8a: {  	s1 =	srdreg.scid  }
0x8b: {  	s0 =	sand.u32 $0x1, s1  }
0x8c: {  	s17 =	sshll.u32 s0, $0xA;
	s2 =	sadd.s32 s3, s2  }
0x8d: {  	s2 =	sadd.s32 s2, s17  }
0x8e: {  	[smem:$0x3FC0] =	sst s2  }
0x8f: {  	_ = 	snop  }
0x90: {  	s2 =	sld [smem:$0x3FD0];
	(tm) =	ssettm $0x1  }
0x91: {  	s18 =	sld [smem:$0x3FFB];
	_ =	sdelay $0x3  }
0x92: {  	_ =	strace s18  }
0x93: {  	s3 =	sld [smem:$0x3FFC];
	_ =	sdelay $0x3  }
0x94: {  	_ =	strace s3  }
0x95: {  	s3 =	sld [smem:$0x3FFD];
	_ =	sdelay $0x3  }
0x96: {  	_ =	strace s3  }
0x97: {  	_ =	strace $0x8FFFFFFF  }
0x98: {  	s19 =	sld [smem:$0x3FDB];
	_ =	sdelay $0x1  }
0x99: {  	s4 =	simm.s32 $_scs_section_size  }
0x9a: {  	s5 =	simm.s32 $_size__tile_overlayer_lowered;
	s6 =	simm.s32 $_tile_overlayer_lowered  }
0x9b: {  	s22 =	simm.s32 $0x1BFF;
	s21 =	sshll.u32 s6, $0x1;
	s3 =	sadd.s32 s4, s19  }
0x9c: {  	s7 =	simm.s32 $0x0;
	s20 =	sshll.u32 s5, $0x1;
	s5 =	sadd.s32 s21, s3  }
0x9d: {  	[timem:s7], [sflag:s22] =	dma.local [hbm:s5], s20  }
0x9e: {  	_ =	swait.ge [sflag:s22], s20  }
0x9f: {  	s4 =	ssub.s32 $0x0, s20;
	[sflag:s22] =	ssyncset.done $0x0  }
0xa0: {  	[sflag:s22] =	ssyncadd.s32 s4;
	_ =	sdelay $0x1  }
0xa1: {  	s23 =	simm.s32 $0x1B8B  }
0xa2: {  	_ =	swait.ge [sflag:s23], $0x1  }
0xa3: {  	[sflag:s23] =	ssyncset.done $0x0  }
0xa4: {  	s25 =	simm.s32 $0x1B8E;
	s24 =	sld [smem:$0x3FFE];
	[sflag:s23] =	ssyncadd.s32 $0xFFFFFFFF  }
0xa5: {  	s26 =	simm.s32 $execute0_lowered;
	[smem:$0x3FD2] =	sst s25  }
0xa6: {  	s5 =	sshll.u32 s26, $0x1;
	_ =	strace $0x80000046;
	[dreg:$0x1] =	wrdreg $0xFFFFFFFF  }
0xa7: {  	s28 =	simm.s32 $_size_execute0_lowered;
	s3 =	sadd.s32 s3, s5;
	[dreg:$0x0] =	wrdreg $0x0  }
0xa8: {  	s5 =	sshll.u32 s28, $0x1;
	[dreg:$0x2] =	wrdreg s3  }
0xa9: {  	[dreg:$0x3] =	wrdreg s5  }
0xaa: {  	[dreg:$0x4] =	wrdreg $0xC0  }
0xab: {  	_ =	task [dreg:s7], $0x5FFFF  }
0xac: {  	[dreg:$0x1] =	wrdreg $0xFFFFFFFF  }
0xad: {  	[dreg:$0x0] =	wrdreg $0x60  }
0xae: {  	[dreg:$0x2] =	wrdreg s24  }
0xaf: {  	[dreg:$0x3] =	wrdreg s2  }
0xb0: {  	[dreg:$0x4] =	wrdreg $0x0  }
0xb1: {  	[dreg:$0x5] =	wrdreg $0x9  }
0xb2: {  	_ =	task.clear_ibuf [dreg:s7], $0x6FFFF;
	_ =	strace $0x90000046  }
0xb3: {  	s29 =	simm.s32 $0x9;
	_ =	strace $0x80000048  }
0xb4: {  	_ =	swait.ge [sflag:s29], $0x1  }
0xb5: {  	[sflag:s29] =	ssyncadd.s32 $0xFFFFFFFF  }
0xb6: {  	_ =	strace $0x90000048  }
0xb7: {  	_ =	sfence  }
0xb8: {  	s30 =	sld [smem:$0x0];
	_ =	sdelay $0x2  }
0xb9: {  	s31 =	sshll.u32 s1, $0xD;
	s1 =	sshrl.u32 s1, $0x2  }
0xba: {  	s3 =	sand.u32 $0x4000, s31;
	s1 =	sadd.s32 s1, s30  }
0xbb: {  	s0 =	sor.u32 s3, s0;
	s1 =	sshll.u32 s1, $0x11  }
0xbc: {  	s0 =	sor.u32 s1, s0  }
0xbd: {  	s0 =	sadd.s32 $0x8F2B, s0  }
0xbe: {  	[sflag:s0] =	ssyncadd.remote.s32 $0x1  }
0xbf: {  	_ =	sfence.sel $0xFFFF  }
0xc0: {  	[dreg:$0x0] =	wrdreg $0xFFFFFFFF;
	(pc) =	sbr.abs _section_cstart, $3  }
0xc1: {  	[dreg:$0x1] =	wrdreg $0xFFFFFFFF  }
0xc2: {  	_ =	task.clear_ibuf [dreg:s7], $0x2FFFF;
	_ =	strace $0x9FFFFFFF  }
0xc3: {  	(tm) =	ssettm $0x7FFFFFFF  }
tec
execute0_lowered:
.L_overlay_start_1:
0x0: {  	(tag) =	ssettag $0x1  }
0x1: {  	s0 =	rddreg [dreg:$0x0]  }
0x2: {  	s2 =	rddreg [dreg:$0x2];
	s4 =	simm.s32 $0x0  }
0x3: {  	s1 =	srdreg.scid;
	s11 =	stileid.u32;
	s28 =	simm.s32 $0x101D0  }
0x4: {  	s29 =	simm.s32 $0xCB20;
	s30 =	simm.s32 $0xEA60;
	s31 =	simm.s32 $0x14050  }
0x5: {  	[smem:$0x7FF] =	sst s4;
	s1 =	sand.u32 $0x1, s1;
	s3 =	smul.u32 $0xC350, s11  }
0x6: {  	s5 =	sadd.s32 $0x188800, s0;
	s7 =	sshll.u32 s11, $0x1;
	s12 =	sadd.s32 $0x264600, s0  }
0x7: {  	s13 =	sadd.s32 $0x1A1000, s0;
	s10 =	smul.u32 $0x61A80, s11;
	s11 =	sshll.u32 s11, $0x6  }
0x8: {  	_ =	strace $0x80000047;
	s6 =	smul.u32 $0xC3500, s1;
	s7 =	sor.u32 s1, s7  }
0x9: {  	s8 =	ssub.s32 $0x2, s1;
	s1 =	smul.u32 $0x30D40, s1;
	[dreg:$0x5] =	wrdreg s13  }
0xa: {  	s16 =	sor.u32 $0x1C09, s11;
	[dreg:$0x4] =	wrdreg s12;
	s11 =	simm.s32 $0xDAC0  }
0xb: {  	s7 =	smul.u32 $0x30D40, s7;
	s9 =	sshrl.u32 s8, $0x1;
	[dreg:$0x7] =	wrdreg s16  }
0xc: {  	s6 =	sadd.s32 s3, s6;
	s9 =	ssub.s32 s8, s9;
	s3 =	sadd.s32 s3, s2  }
0xd: {  	s1 =	sadd.s32 s1, s10;
	s8 =	simm.s32 $0x17ED0;
	s10 =	simm.s32 $0x2  }
0xe: {  	s6 =	sshrl.u32 s6, $0x3;
	[dreg:$0x6] =	wrdreg s3;
	s7 =	sshrl.u32 s7, $0x3  }
0xf: {  	s18 =	sadd.s32 $0x2710, s1;
	s21 =	smax.u32 s9, $0x1;
	s24 =	sadd.s32 $0x1770, s1  }
0x10: {  	s25 =	sadd.s32 $0xFA0, s1;
	s1 =	sadd.s32 $0x1F40, s1;
	s9 =	simm.s32 $0x6  }
0x11: {  	s0 =	sadd.s32 s6, s0;
	s14 =	sadd.s32 s12, s7;
	s15 =	sadd.s32 s13, s7  }
0x12: {  	s17 =	sadd.s32 $0xFA, s7;
	s20 =	sshrl.u32 s18, $0x3;
	[dreg:$0xd] =	wrdreg s21  }
0x13: {  	[dreg:$0x10] =	wrdreg s1;
	s26 =	sshrl.u32 s25, $0x3;
	s25 =	simm.s32 $0xE290  }
0x14: {  	s1 =	simm.s32 $0xF230;
	s18 =	simm.s32 $0x4;
	[dreg:$0x8] =	wrdreg s14  }
0x15: {  	s7 =	simm.s32 $0x0;
	[dreg:$0x9] =	wrdreg s15;
	s19 =	sadd.s32 s12, s17  }
0x16: {  	s3 =	sadd.s32 s13, s17;
	s0 =	sadd.s32 $0x327C00, s0;
	[dreg:$0xa] =	wrdreg s19  }
0x17: {  	s22 =	sadd.s32 s20, s13;
	s23 =	sadd.s32 s20, s12;
	[dreg:$0xb] =	wrdreg s3  }
0x18: {  	s21 =	sadd.s32 s26, s13;
	s14 =	simm.s32 $0x3;
	[dreg:$0xc] =	wrdreg s0  }
.Ltmp0:
0x19: {  	s15 =	simm.s32 $0x5;
	[dreg:$0xe] =	wrdreg s22;
	(pc) =	sbr.rel .LBB2_1-.Ltmp0, $4  }
0x1a: {  	[dreg:$0xf] =	wrdreg s23;
	s0 =	sshrl.u32 s24, $0x3;
	s22 =	sadd.s32 s26, s12  }
0x1b: {  	s23 =	simm.s32 $0x9;
	s24 =	simm.s32 $0xC350;
	s26 =	simm.s32 $0x7D0  }
0x1c: {  	s3 =	simm.s32 $0xD2F0;
	s19 =	sadd.s32 s0, s13;
	s20 =	sadd.s32 s0, s12  }
0x1d: {  	s0 =	simm.s32 $0x1;
	s12 =	simm.s32 $0xFA00;
	s13 =	simm.s32 $0x1BD50  }
.LBB2_4:
0x1e: {  	_ =	swait.ge [sflag:s18], $0x3E80  }
0x1f: {  	[sflag:s18] =	ssyncset.done $0x0  }
0x20: {  	[sflag:s18] =	ssyncadd.s32 $0xFFFFC180  }
0x21: {  	[spmem:s2] =	stream.indirect.scatter.add.f32 [tilespmem:s13], [sflag:$0x8], $0x8, s12, s26, $0xb8;
	[tilespmem:$0x1FBD0] =	vst v63  }
0x22: {  	_ =	swait.ge [sflag:s9], $0x3E80  }
0x23: {  	[sflag:s9] =	ssyncset.done $0x0  }
0x24: {  	s6 =	simm.s32 $0x7;
	[sflag:s9] =	ssyncadd.s32 $0xFFFFC180  }
0x25: {  	_ =	swait.ge [sflag:s6], $0x3E80  }
0x26: {  	[sflag:s6] =	ssyncset.done $0x0  }
0x27: {  	s16 =	simm.s32 $0x8;
	[sflag:s6] =	ssyncadd.s32 $0xFFFFC180  }
0x28: {  	_ =	swait.ge [sflag:s16], $0x3E80  }
0x29: {  	[sflag:s16] =	ssyncset.done $0x0  }
0x2a: {  	[sflag:s16] =	ssyncadd.s32 $0xFFFFC180  }
0x2b: {  	[bflag:$0x0] =	sbarrier.arrive $0xFFFF  }
0x2c: {  	s16 =	rddreg [dreg:$0x7]  }
0x2d: {  	s17 =	rddreg [dreg:$0xc]  }
0x2e: {  	s7 =	rddreg [dreg:$0x12]  }
0x2f: {  	[hbm:s17], [sflag:s16] =	dma.local [spmem:s7], $0x186A  }
0x30: {  	_ =	swait.ge [sflag:s23], $0x186A  }
0x31: {  	s6 =	rddreg [dreg:$0x11]  }
0x32: {  	s17 =	rddreg [dreg:$0xd];
	s7 =	sadd.s32 $0x1, s6  }
0x33: {  	p0 =	sne.s32 s7, s17  }
.Ltmp1:
0x34: {  	_ = 	snop;
	(pc) =	sbr.rel @!p0 .LBB2_5-.Ltmp1, $3  }
0x35: {  	_ =	sdelay $0x1  }
0x36: {  	[sflag:s23] =	ssyncset.done $0x0  }
0x37: {  	[sflag:s23] =	ssyncadd.s32 $0xFFFFE796  }
.LBB2_1:
0x38: {  	[dreg:$0x11] =	wrdreg s7  }
0x39: {  	s6 =	rddreg [dreg:$0x6]  }
0x3a: {  	s17 =	rddreg [dreg:$0x1];
	s6 =	sshrl.u32 s6, $0x3  }
0x3b: {  	[dreg:$0x12] =	wrdreg s6  }
0x3c: {  	[spmem:s6], [sflag:s16] =	dma.local [hbm:s17], $0x186A  }
0x3d: {  	_ =	swait.ge [sflag:s23], $0x186A  }
0x3e: {  	[sflag:s23] =	ssyncset.done $0x0  }
0x3f: {  	[sflag:s23] =	ssyncadd.s32 $0xFFFFE796  }
0x40: {  	[bflag:$0x0] =	sbarrier.arrive $0xFFFF  }
0x41: {  	s17 =	rddreg [dreg:$0x8]  }
0x42: {  	[tilespmem:s24], [sflag:$0x9] =	stream.linear.gather [hbm4b:s17+s4], $0x7D0, $0x38;
	[tilespmem:$0x1FBD0] =	vst v63  }
0x43: {  	_ =	swait.ge [sflag:s23], $0x7D0  }
0x44: {  	[sflag:s23] =	ssyncset.done $0x0  }
0x45: {  	s7 =	rddreg [dreg:$0x9];
	[sflag:s23] =	ssyncadd.s32 $0xFFFFF830  }
0x46: {  	[tilespmem:s25], [sflag:$0x9] =	stream.linear.gather [hbm4b:s7+s4], $0x7D0, $0x38;
	[tilespmem:$0x1FBD0] =	vst v63  }
0x47: {  	_ =	swait.ge [sflag:s23], $0x7D0  }
0x48: {  	[sflag:s23] =	ssyncset.done $0x0  }
0x49: {  	[sflag:s23] =	ssyncadd.s32 $0xFFFFF830  }
0x4a: {  	[tilespmem:s28], [sflag:$0x1] =	stream.indirect.gather [hbm4b:s5+s26], $0x8, s24, s26, $0xb8;
	[tilespmem:$0x1FBD0] =	vst v63  }
0x4b: {  	s16 =	rddreg [dreg:$0xa]  }
0x4c: {  	[tilespmem:s29], [sflag:$0x9] =	stream.linear.gather [hbm4b:s16+s4], $0x7D0, $0x38;
	[tilespmem:$0x1FBD0] =	vst v63  }
0x4d: {  	_ =	swait.ge [sflag:s23], $0x7D0  }
0x4e: {  	[sflag:s23] =	ssyncset.done $0x0  }
0x4f: {  	s17 =	rddreg [dreg:$0xb];
	[sflag:s23] =	ssyncadd.s32 $0xFFFFF830  }
0x50: {  	[tilespmem:s30], [sflag:$0x9] =	stream.linear.gather [hbm4b:s17+s4], $0x7D0, $0x38;
	[tilespmem:$0x1FBD0] =	vst v63  }
0x51: {  	_ =	swait.ge [sflag:s23], $0x7D0  }
0x52: {  	[sflag:s23] =	ssyncset.done $0x0  }
0x53: {  	s7 =	simm.s32 $0x0;
	s6 =	rddreg [dreg:$0x10];
	[sflag:s23] =	ssyncadd.s32 $0xFFFFF830  }
0x54: {  	[tilespmem:s31], [sflag:$0x2] =	stream.indirect.gather [hbm4b:s5+s26], $0x8, s29, s26, $0xb8;
	[tilespmem:$0x1FBD0] =	vst v63  }
.LBB2_2:
0x55: {  	_ =	swait.ge [sflag:s0], $0x3E80  }
0x56: {  	p0 =	seq.s32 s7, $0x0;
	[sflag:s0] =	ssyncset.done $0x0  }
0x57: {  	s16 =	simm.s32 @!p0 $0x7;
	[sflag:s0] =	ssyncadd.s32 $0xFFFFC180  }
0x58: {  	[spmem:s2] =	stream.indirect.scatter.add.f32 [tilespmem:s28], [sflag:$0x5], $0x8, s25, s26, $0xb8;
	[tilespmem:$0x1FBD0] =	vst v63  }
0x59: {  	_ =	swait.ge @!p0 [sflag:s16], $0x3E80  }
0x5a: {  	[sflag:s16] =	ssyncset.done @!p0 $0x0  }
0x5b: {  	s17 =	sadd.s32 s7, s22;
	[sflag:s16] =	ssyncadd.s32 @!p0 $0xFFFFC180  }
0x5c: {  	[tilespmem:s3], [sflag:$0x9] =	stream.linear.gather [hbm4b:s17+s4], $0x7D0, $0x38;
	[tilespmem:$0x1FBD0] =	vst v63  }
0x5d: {  	_ =	swait.ge [sflag:s23], $0x7D0  }
0x5e: {  	[sflag:s23] =	ssyncset.done $0x0  }
0x5f: {  	s17 =	sadd.s32 s7, s21;
	[sflag:s23] =	ssyncadd.s32 $0xFFFFF830  }
0x60: {  	[tilespmem:s1], [sflag:$0x9] =	stream.linear.gather [hbm4b:s17+s4], $0x7D0, $0x38;
	[tilespmem:$0x1FBD0] =	vst v63  }
0x61: {  	_ =	swait.ge [sflag:s23], $0x7D0  }
0x62: {  	[sflag:s23] =	ssyncset.done $0x0  }
0x63: {  	[sflag:s23] =	ssyncadd.s32 $0xFFFFF830  }
0x64: {  	[tilespmem:s8], [sflag:$0x3] =	stream.indirect.gather [hbm4b:s5+s26], $0x8, s3, s26, $0xb8;
	[tilespmem:$0x1FBD0] =	vst v63  }
0x65: {  	_ =	swait.ge [sflag:s10], $0x3E80  }
0x66: {  	[sflag:s10] =	ssyncset.done $0x0  }
0x67: {  	s16 =	simm.s32 @!p0 $0x8;
	[sflag:s10] =	ssyncadd.s32 $0xFFFFC180  }
0x68: {  	[spmem:s2] =	stream.indirect.scatter.add.f32 [tilespmem:s31], [sflag:$0x6], $0x8, s30, s26, $0xb8;
	[tilespmem:$0x1FBD0] =	vst v63  }
0x69: {  	_ =	swait.ge @!p0 [sflag:s16], $0x3E80  }
0x6a: {  	[sflag:s16] =	ssyncset.done @!p0 $0x0  }
0x6b: {  	s17 =	sadd.s32 s7, s20;
	[sflag:s16] =	ssyncadd.s32 @!p0 $0xFFFFC180  }
0x6c: {  	[tilespmem:s11], [sflag:$0x9] =	stream.linear.gather [hbm4b:s17+s4], $0x7D0, $0x38;
	[tilespmem:$0x1FBD0] =	vst v63  }
0x6d: {  	_ =	swait.ge [sflag:s23], $0x7D0  }
0x6e: {  	[sflag:s23] =	ssyncset.done $0x0  }
0x6f: {  	s17 =	sadd.s32 s7, s19;
	[sflag:s23] =	ssyncadd.s32 $0xFFFFF830  }
0x70: {  	[tilespmem:s12], [sflag:$0x9] =	stream.linear.gather [hbm4b:s17+s4], $0x7D0, $0x38;
	[tilespmem:$0x1FBD0] =	vst v63  }
0x71: {  	_ =	swait.ge [sflag:s23], $0x7D0  }
0x72: {  	[sflag:s23] =	ssyncset.done $0x0  }
0x73: {  	[sflag:s23] =	ssyncadd.s32 $0xFFFFF830  }
0x74: {  	[tilespmem:s13], [sflag:$0x4] =	stream.indirect.gather [hbm4b:s5+s26], $0x8, s11, s26, $0xb8;
	[tilespmem:$0x1FBD0] =	vst v63  }
0x75: {  	_ =	swait.ge [sflag:s14], $0x3E80  }
0x76: {  	p0 =	seq.s32 s7, $0x5DC0;
	[sflag:s14] =	ssyncset.done $0x0  }
.Ltmp2:
0x77: {  	[sflag:s14] =	ssyncadd.s32 $0xFFFFC180;
	(pc) =	sbr.rel @p0 .LBB2_4-.Ltmp2, $4  }
0x78: {  	[spmem:s2] =	stream.indirect.scatter.add.f32 [tilespmem:s8], [sflag:$0x7], $0x8, s1, s26, $0xb8;
	[tilespmem:$0x1FBD0] =	vst v63  }
0x79: {  	_ =	swait.ge [sflag:s15], $0x3E80  }
0x7a: {  	[sflag:s15] =	ssyncset.done $0x0  }
0x7b: {  	[sflag:s15] =	ssyncadd.s32 $0xFFFFC180  }
0x7c: {  	s16 =	sshrl.u32 s6, $0x3;
	s17 =	rddreg [dreg:$0x4]  }
0x7d: {  	s17 =	sadd.s32 s17, s16  }
0x7e: {  	[tilespmem:s24], [sflag:$0x9] =	stream.linear.gather [hbm4b:s17+s4], $0x7D0, $0x38;
	[tilespmem:$0x1FBD0] =	vst v63  }
0x7f: {  	_ =	swait.ge [sflag:s23], $0x7D0  }
0x80: {  	[sflag:s23] =	ssyncset.done $0x0;
	s17 =	rddreg [dreg:$0x5]  }
0x81: {  	[sflag:s23] =	ssyncadd.s32 $0xFFFFF830;
	s16 =	sadd.s32 s17, s16  }
0x82: {  	[tilespmem:s25], [sflag:$0x9] =	stream.linear.gather [hbm4b:s16+s4], $0x7D0, $0x38;
	[tilespmem:$0x1FBD0] =	vst v63  }
0x83: {  	_ =	swait.ge [sflag:s23], $0x7D0  }
0x84: {  	[sflag:s23] =	ssyncset.done $0x0  }
0x85: {  	[sflag:s23] =	ssyncadd.s32 $0xFFFFF830  }
0x86: {  	[tilespmem:s28], [sflag:$0x1] =	stream.indirect.gather [hbm4b:s5+s26], $0x8, s24, s26, $0xb8;
	[tilespmem:$0x1FBD0] =	vst v63  }
0x87: {  	_ =	swait.ge [sflag:s18], $0x3E80  }
0x88: {  	[sflag:s18] =	ssyncset.done $0x0  }
0x89: {  	[sflag:s18] =	ssyncadd.s32 $0xFFFFC180  }
0x8a: {  	[spmem:s2] =	stream.indirect.scatter.add.f32 [tilespmem:s13], [sflag:$0x8], $0x8, s12, s26, $0xb8;
	[tilespmem:$0x1FBD0] =	vst v63  }
0x8b: {  	_ =	swait.ge [sflag:s9], $0x3E80  }
0x8c: {  	[sflag:s9] =	ssyncset.done $0x0;
	s17 =	rddreg [dreg:$0xf]  }
0x8d: {  	[sflag:s9] =	ssyncadd.s32 $0xFFFFC180;
	s16 =	sadd.s32 s7, s17  }
0x8e: {  	[tilespmem:s29], [sflag:$0x9] =	stream.linear.gather [hbm4b:s16+s4], $0x7D0, $0x38;
	[tilespmem:$0x1FBD0] =	vst v63  }
0x8f: {  	_ =	swait.ge [sflag:s23], $0x7D0  }
0x90: {  	[sflag:s23] =	ssyncset.done $0x0;
	s17 =	rddreg [dreg:$0xe]  }
0x91: {  	[sflag:s23] =	ssyncadd.s32 $0xFFFFF830;
	s16 =	sadd.s32 s7, s17  }
0x92: {  	[tilespmem:s30], [sflag:$0x9] =	stream.linear.gather [hbm4b:s16+s4], $0x7D0, $0x38;
	[tilespmem:$0x1FBD0] =	vst v63  }
.Ltmp3:
0x93: {  	_ = 	snop;
	(pc) =	sbr.rel .LBB2_2-.Ltmp3, $4  }
0x94: {  	_ =	swait.ge [sflag:s23], $0x7D0  }
0x95: {  	[sflag:s23] =	ssyncset.done $0x0  }
0x96: {  	s6 =	sadd.s32 $0x1F40, s6;
	s7 =	sadd.s32 $0x3E8, s7;
	[sflag:s23] =	ssyncadd.s32 $0xFFFFF830  }
0x97: {  	[tilespmem:s31], [sflag:$0x2] =	stream.indirect.gather [hbm4b:s5+s26], $0x8, s29, s26, $0xb8;
	[tilespmem:$0x1FBD0] =	vst v63  }
.LBB2_5:
0x98: {  	_ =	sfence.sel $0x180000  }
0x99: {  	[bflag:$0x0] =	sbarrier.arrive $0xFFFF  }
0x9a: {  	_ =	strace $0x90000047  }
0x9b: {  	s0 =	stileid.u32;
	[bflag:$0x2] =	sbarrier.arrive $0xFFFF  }
0x9c: {  	p0 =	sne.s32 s0, $0x0;
	s0 =	rddreg [dreg:$0x3]  }
0x9d: {  	s0 =	sadd.s32 @!p0 $0x100000, s0  }
0x9e: {  	[sflag:s0] =	ssyncadd.tile.s32 @!p0 $0x1;
	_ =	shalt  }
.Lfunc_end2:
_tile_overlayer_lowered:
.L_overlay_start_2:
0x9f: {  	(tag) =	ssettag $0x2  }
0xa0: {  	s0 =	rddreg [dreg:$0x0];
	s2 =	stileid.u32  }
0xa1: {  	s1 =	rddreg [dreg:$0x1];
	p0 =	sne.s32 s2, $0x0  }
0xa2: {  	s3 =	rddreg [dreg:$0x2];
	[bflag:$0x3] =	sbarrier.arrive $0xFFFF;
	s2 =	simm.s32 @!p0 $0x1C09  }
0xa3: {  	[timem:s3], [sflag:s2] =	dma.local @!p0 [hbm:s0], s1  }
0xa4: {  	s0 =	simm.s32 @!p0 $0x9  }
0xa5: {  	_ =	swait.ge @!p0 [sflag:s0], s1  }
0xa6: {  	s1 =	ssub.s32 @!p0 $0x0, s1;
	[sflag:s0] =	ssyncset.done @!p0 $0x0  }
0xa7: {  	[sflag:s0] =	ssyncadd.s32 @!p0 s1  }
0xa8: {  	[bflag:$0x3] =	sbarrier.arrive $0xFFFF  }
0xa9: {  	_ =	shalt  }

// kernel: kernel.9.cloned.1.call-start
scs
__scs_entry_jumppad:
0x0: {  	(pc) =	sbr.rel $0x88, $3  }
0x1: {  	(tag) =	ssettag $0x0;
	lr =	simm.s32 $0x1  }
0x2: {  	[smem:$0x3F99] =	sst lr;
	_ =	strace $0xD0000000  }
0x3: {  	_ = 	snop  }
0x4: {  	_ = 	snop  }
0x5: {  	_ = 	snop  }
0x6: {  	_ = 	snop  }
0x7: {  	_ = 	snop  }
__scs_overlays_trampoline_lowered:
0x8: {  	[smem:$0x3FA8] =	sst s0  }
0x9: {  	[smem:$0x3FA9] =	sst s1  }
0xa: {  	[smem:$0x3FAA] =	sst s2  }
0xb: {  	[smem:$0x3FAB] =	sst s3  }
0xc: {  	[smem:$0x3FAC] =	sst s4  }
0xd: {  	[smem:$0x3FAD] =	sst s5  }
0xe: {  	[smem:$0x3FAE] =	sst s6  }
0xf: {  	[smem:$0x3FAF] =	sst s7  }
0x10: {  	[smem:$0x3FB0] =	sst s8  }
0x11: {  	[smem:$0x3FB1] =	sst s9;
	s0 =	simm.s32 @!p0 $0x0  }
0x12: {  	s1 =	sld [smem:$0x3F97];
	s0 =	simm.s32 @p0 $0x1  }
0x13: {  	[smem:$0x3FB2] =	sst s0;
	s0 =	simm.s32 @!p1 $0x0  }
0x14: {  	s2 =	sld [smem:$0x3F96];
	s0 =	simm.s32 @p1 $0x1  }
0x15: {  	[smem:$0x3FB3] =	sst s0;
	s0 =	simm.s32 @!p2 $0x0  }
0x16: {  	s3 =	sld [smem:$0x3FDB];
	s0 =	simm.s32 @p2 $0x1  }
0x17: {  	s4 =	simm.s32 $0x1BF5;
	[smem:$0x3FB5] =	sst s0  }
0x18: {  	s0 =	sld [smem:$0x3F98];
	_ =	swait.ge [sflag:s4], $0x0  }
0x19: {  	s7 =	sld [smem:$0x3F99]  }
0x1a: {  	s8 =	sadd.s32 $0xFFFFE003, lr  }
0x1b: {  	s9 =	sadd.s32 $0xFFFFFEF7, lr;
	s5 =	simm.s32 $0xFFFFFFFF;
	p2 =	slt.u32 s8, $0xFFFFF086  }
0x1c: {  	p1 =	slt.u32 s9, $0xF7A;
	s5 =	simm.s32 @!p2 $0x0  }
0x1d: {  	s5 =	simm.s32 @p1 $0x1;
	p0 =	seq.s32 s7, s2  }
0x1e: {  	s7 =	smul.u32 @!p0 $0xF7A, s2;
	p2 =	seq.s32 @!p0 s5, $0x0  }
0x1f: {  	s9 =	smul.u32 $0xF7A, s1;
	s8 =	simm.s32 @!p0 $0x1BF5;
	p2 =	por !p2, p0  }
0x20: {  	[sflag:s8] =	ssyncset.s32 @!p0 $0xFFFFF086;
	s6 =	sadd.s32 @!p0 s3, s7;
	s7 =	simm.s32 @!p0 $0x108  }
0x21: {  	s3 =	sadd.s32 s3, s9;
	s6 =	sadd.s32 @!p0 $0x88, s6;
	s7 =	simm.s32 @p2 $0x1082  }
0x22: {  	[simem:s7], [sflag:s8] =	dma.local @!p0 [hbm:s6], $0xF7A  }
0x23: {  	s9 =	sor.u32 $0xD0000000, s2;
	s6 =	simm.s32 $0x108;
	_ =	swait.ge @!p0 [sflag:s8], $0x0  }
0x24: {  	s3 =	sadd.s32 $0x88, s3;
	s6 =	simm.s32 @!p1 $0x1082;
	[sflag:s4] =	ssyncset.s32 $0xFFFFF086  }
0x25: {  	[simem:s6], [sflag:s4] =	dma.local [hbm:s3], $0xF7A  }
0x26: {  	[smem:$0x3F99] =	sst s1;
	(tag) =	ssettag s2;
	_ =	strace s9  }
0x27: {  	s1 =	sld [smem:$0x3FA9]  }
0x28: {  	s2 =	sld [smem:$0x3FAA]  }
0x29: {  	s4 =	sld [smem:$0x3FAC]  }
0x2a: {  	p0 =	seq.s32 s5, $0x0;
	s5 =	sld [smem:$0x3FAD]  }
0x2b: {  	s6 =	sld [smem:$0x3FAE]  }
0x2c: {  	s7 =	sld [smem:$0x3FAF]  }
0x2d: {  	s3 =	simm.s32 $0x108;
	s8 =	sld [smem:$0x3FB0]  }
0x2e: {  	s3 =	simm.s32 @!p0 $0x1082;
	s9 =	sld [smem:$0x3FB1]  }
0x2f: {  	lr =	sadd.s32 s0, s3;
	s0 =	sld [smem:$0x3FA8]  }
0x30: {  	s3 =	sld [smem:$0x3FAB]  }
0x31: {  	[smem:$0x3FB4] =	sst s10  }
0x32: {  	s10 =	sld [smem:$0x3FB2];
	_ =	sdelay $0x3  }
0x33: {  	p0 =	seq.s32 s10, $0x1;
	s10 =	sld [smem:$0x3FB4];
	_ =	sdelay $0x3  }
0x34: {  	[smem:$0x3FB4] =	sst s10  }
0x35: {  	s10 =	sld [smem:$0x3FB3];
	_ =	sdelay $0x3  }
0x36: {  	p1 =	seq.s32 s10, $0x1;
	s10 =	sld [smem:$0x3FB4];
	_ =	sdelay $0x3  }
0x37: {  	[smem:$0x3FB4] =	sst s10  }
0x38: {  	s10 =	sld [smem:$0x3FB5]  }
0x39: {  	_ = 	snop;
	(pc) =	sbr.ind lr, $3  }
0x3a: {  	_ = 	snop  }
0x3b: {  	_ = 	snop  }
0x3c: {  	p2 =	seq.s32 s10, $0x1;
	s10 =	sld [smem:$0x3FB4]  }
0x3d: {  	_ =	shalt  }
0x3e: {  	_ =	shalt  }
0x3f: {  	_ =	shalt  }
0x40: {  	_ =	shalt  }
0x41: {  	_ =	shalt  }
0x42: {  	_ =	shalt  }
0x43: {  	_ =	shalt  }
0x44: {  	_ =	shalt  }
0x45: {  	_ =	shalt  }
0x46: {  	_ =	shalt  }
0x47: {  	_ =	shalt  }
0x48: {  	_ =	shalt  }
0x49: {  	_ =	shalt  }
0x4a: {  	_ =	shalt  }
0x4b: {  	_ =	shalt  }
0x4c: {  	_ =	shalt  }
0x4d: {  	_ =	shalt  }
0x4e: {  	_ =	shalt  }
0x4f: {  	_ =	shalt  }
0x50: {  	_ =	shalt  }
0x51: {  	_ =	shalt  }
0x52: {  	_ =	shalt  }
0x53: {  	_ =	shalt  }
0x54: {  	_ =	shalt  }
0x55: {  	_ =	shalt  }
0x56: {  	_ =	shalt  }
0x57: {  	_ =	shalt  }
0x58: {  	_ =	shalt  }
0x59: {  	_ =	shalt  }
0x5a: {  	_ =	shalt  }
0x5b: {  	_ =	shalt  }
0x5c: {  	_ =	shalt  }
0x5d: {  	_ =	shalt  }
0x5e: {  	_ =	shalt  }
0x5f: {  	_ =	shalt  }
0x60: {  	_ =	shalt  }
0x61: {  	_ =	shalt  }
0x62: {  	_ =	shalt  }
0x63: {  	_ =	shalt  }
0x64: {  	_ =	shalt  }
0x65: {  	_ =	shalt  }
0x66: {  	_ =	shalt  }
0x67: {  	_ =	shalt  }
0x68: {  	_ =	shalt  }
0x69: {  	_ =	shalt  }
0x6a: {  	_ =	shalt  }
0x6b: {  	_ =	shalt  }
0x6c: {  	_ =	shalt  }
0x6d: {  	_ =	shalt  }
0x6e: {  	_ =	shalt  }
0x6f: {  	_ =	shalt  }
0x70: {  	_ =	shalt  }
0x71: {  	_ =	shalt  }
0x72: {  	_ =	shalt  }
0x73: {  	_ =	shalt  }
0x74: {  	_ =	shalt  }
0x75: {  	_ =	shalt  }
0x76: {  	_ =	shalt  }
0x77: {  	_ =	shalt  }
0x78: {  	_ =	shalt  }
0x79: {  	_ =	shalt  }
0x7a: {  	_ =	shalt  }
0x7b: {  	_ =	shalt  }
0x7c: {  	_ =	shalt  }
0x7d: {  	_ =	shalt  }
0x7e: {  	_ =	shalt  }
0x7f: {  	_ =	shalt  }
0x80: {  	_ =	shalt  }
0x81: {  	_ =	shalt  }
0x82: {  	_ =	shalt  }
0x83: {  	_ =	shalt  }
0x84: {  	_ =	shalt  }
0x85: {  	_ =	shalt  }
0x86: {  	_ =	shalt  }
0x87: {  	_ =	shalt  }
.Lfunc_end0:
.L_simem_size_0:
called_computation.1_lowered:
.L_overlay_start_0:
0x88: {  	s2 =	sld [smem:$0x3FD9]  }
0x89: {  	s3 =	sld [smem:$0x3FFE];
	_ =	sdelay $0x1  }
0x8a: {  	s1 =	srdreg.scid  }
0x8b: {  	s0 =	sand.u32 $0x1, s1  }
0x8c: {  	s17 =	sshll.u32 s0, $0xA;
	s2 =	sadd.s32 s3, s2  }
0x8d: {  	s2 =	sadd.s32 s2, s17  }
0x8e: {  	[smem:$0x3FC0] =	sst s2  }
0x8f: {  	_ = 	snop  }
0x90: {  	s2 =	sld [smem:$0x3FD0];
	(tm) =	ssettm $0x1  }
0x91: {  	s18 =	sld [smem:$0x3FFB];
	_ =	sdelay $0x3  }
0x92: {  	_ =	strace s18  }
0x93: {  	s3 =	sld [smem:$0x3FFC];
	_ =	sdelay $0x3  }
0x94: {  	_ =	strace s3  }
0x95: {  	s3 =	sld [smem:$0x3FFD];
	_ =	sdelay $0x3  }
0x96: {  	_ =	strace s3  }
0x97: {  	_ =	strace $0x8FFFFFFF  }
0x98: {  	s19 =	sld [smem:$0x3FDB];
	_ =	sdelay $0x1  }
0x99: {  	s4 =	simm.s32 $_scs_section_size  }
0x9a: {  	s5 =	simm.s32 $_size__tile_overlayer_lowered;
	s6 =	simm.s32 $_tile_overlayer_lowered  }
0x9b: {  	s22 =	simm.s32 $0x1BFF;
	s21 =	sshll.u32 s6, $0x1;
	s3 =	sadd.s32 s4, s19  }
0x9c: {  	s7 =	simm.s32 $0x0;
	s20 =	sshll.u32 s5, $0x1;
	s5 =	sadd.s32 s21, s3  }
0x9d: {  	[timem:s7], [sflag:s22] =	dma.local [hbm:s5], s20  }
0x9e: {  	_ =	swait.ge [sflag:s22], s20  }
0x9f: {  	s4 =	ssub.s32 $0x0, s20;
	[sflag:s22] =	ssyncset.done $0x0  }
0xa0: {  	[sflag:s22] =	ssyncadd.s32 s4;
	_ =	sdelay $0x1  }
0xa1: {  	s23 =	simm.s32 $0x1B8B  }
0xa2: {  	_ =	swait.ge [sflag:s23], $0x1  }
0xa3: {  	[sflag:s23] =	ssyncset.done $0x0  }
0xa4: {  	s25 =	simm.s32 $0x1B8E;
	s24 =	sld [smem:$0x3FFE];
	[sflag:s23] =	ssyncadd.s32 $0xFFFFFFFF  }
0xa5: {  	s26 =	simm.s32 $execute0_lowered;
	[smem:$0x3FD2] =	sst s25  }
0xa6: {  	s5 =	sshll.u32 s26, $0x1;
	_ =	strace $0x80000049;
	[dreg:$0x1] =	wrdreg $0xFFFFFFFF  }
0xa7: {  	s28 =	simm.s32 $_size_execute0_lowered;
	s3 =	sadd.s32 s3, s5;
	[dreg:$0x0] =	wrdreg $0x0  }
0xa8: {  	s5 =	sshll.u32 s28, $0x1;
	[dreg:$0x2] =	wrdreg s3  }
0xa9: {  	[dreg:$0x3] =	wrdreg s5  }
0xaa: {  	[dreg:$0x4] =	wrdreg $0xC0  }
0xab: {  	_ =	task [dreg:s7], $0x5FFFF  }
0xac: {  	[dreg:$0x1] =	wrdreg $0xFFFFFFFF  }
0xad: {  	[dreg:$0x0] =	wrdreg $0x60  }
0xae: {  	[dreg:$0x2] =	wrdreg s24  }
0xaf: {  	[dreg:$0x3] =	wrdreg s2  }
0xb0: {  	[dreg:$0x4] =	wrdreg $0x0  }
0xb1: {  	[dreg:$0x5] =	wrdreg $0x9  }
0xb2: {  	_ =	task.clear_ibuf [dreg:s7], $0x6FFFF;
	_ =	strace $0x90000049  }
0xb3: {  	s29 =	simm.s32 $0x9;
	_ =	strace $0x8000004B  }
0xb4: {  	_ =	swait.ge [sflag:s29], $0x1  }
0xb5: {  	[sflag:s29] =	ssyncadd.s32 $0xFFFFFFFF  }
0xb6: {  	_ =	strace $0x9000004B  }
0xb7: {  	_ =	sfence  }
0xb8: {  	s30 =	sld [smem:$0x0];
	_ =	sdelay $0x2  }
0xb9: {  	s31 =	sshll.u32 s1, $0xD;
	s1 =	sshrl.u32 s1, $0x2  }
0xba: {  	s3 =	sand.u32 $0x4000, s31;
	s1 =	sadd.s32 s1, s30  }
0xbb: {  	s0 =	sor.u32 s3, s0;
	s1 =	sshll.u32 s1, $0x11  }
0xbc: {  	s0 =	sor.u32 s1, s0  }
0xbd: {  	s0 =	sadd.s32 $0x8F2B, s0  }
0xbe: {  	[sflag:s0] =	ssyncadd.remote.s32 $0x1  }
0xbf: {  	_ =	sfence.sel $0xFFFF  }
0xc0: {  	[dreg:$0x0] =	wrdreg $0xFFFFFFFF;
	(pc) =	sbr.abs _section_cstart, $3  }
0xc1: {  	[dreg:$0x1] =	wrdreg $0xFFFFFFFF  }
0xc2: {  	_ =	task.clear_ibuf [dreg:s7], $0x2FFFF;
	_ =	strace $0x9FFFFFFF  }
0xc3: {  	(tm) =	ssettm $0x7FFFFFFF  }
tec
execute0_lowered:
.L_overlay_start_1:
0x0: {  	(tag) =	ssettag $0x1  }
0x1: {  	s0 =	rddreg [dreg:$0x0]  }
0x2: {  	s2 =	rddreg [dreg:$0x2];
	s4 =	simm.s32 $0x0  }
0x3: {  	s1 =	srdreg.scid;
	s11 =	stileid.u32;
	s28 =	simm.s32 $0x101D0  }
0x4: {  	s29 =	simm.s32 $0xCB20;
	s30 =	simm.s32 $0xEA60;
	s31 =	simm.s32 $0x14050  }
0x5: {  	[smem:$0x7FF] =	sst s4;
	s1 =	sand.u32 $0x1, s1;
	s3 =	smul.u32 $0xC350, s11  }
0x6: {  	s5 =	sadd.s32 $0x1E00, s0;
	s7 =	sshll.u32 s11, $0x1;
	s12 =	sadd.s32 $0x264600, s0  }
0x7: {  	s13 =	sadd.s32 $0x1A1000, s0;
	s10 =	smul.u32 $0x61A80, s11;
	s11 =	sshll.u32 s11, $0x6  }
0x8: {  	_ =	strace $0x8000004A;
	s6 =	smul.u32 $0xC3500, s1;
	s7 =	sor.u32 s1, s7  }
0x9: {  	s8 =	ssub.s32 $0x2, s1;
	s1 =	smul.u32 $0x30D40, s1;
	[dreg:$0x5] =	wrdreg s13  }
0xa: {  	s16 =	sor.u32 $0x1C09, s11;
	[dreg:$0x4] =	wrdreg s12;
	s11 =	simm.s32 $0xDAC0  }
0xb: {  	s7 =	smul.u32 $0x30D40, s7;
	s9 =	sshrl.u32 s8, $0x1;
	[dreg:$0x7] =	wrdreg s16  }
0xc: {  	s6 =	sadd.s32 s3, s6;
	s9 =	ssub.s32 s8, s9;
	s3 =	sadd.s32 s3, s2  }
0xd: {  	s1 =	sadd.s32 s1, s10;
	s8 =	simm.s32 $0x17ED0;
	s10 =	simm.s32 $0x2  }
0xe: {  	s6 =	sshrl.u32 s6, $0x3;
	[dreg:$0x6] =	wrdreg s3;
	s7 =	sshrl.u32 s7, $0x3  }
0xf: {  	s18 =	sadd.s32 $0x2710, s1;
	s21 =	smax.u32 s9, $0x1;
	s24 =	sadd.s32 $0x1770, s1  }
0x10: {  	s25 =	sadd.s32 $0xFA0, s1;
	s1 =	sadd.s32 $0x1F40, s1;
	s9 =	simm.s32 $0x6  }
0x11: {  	s0 =	sadd.s32 s6, s0;
	s14 =	sadd.s32 s12, s7;
	s15 =	sadd.s32 s13, s7  }
0x12: {  	s17 =	sadd.s32 $0xFA, s7;
	s20 =	sshrl.u32 s18, $0x3;
	[dreg:$0xd] =	wrdreg s21  }
0x13: {  	[dreg:$0x10] =	wrdreg s1;
	s26 =	sshrl.u32 s25, $0x3;
	s25 =	simm.s32 $0xE290  }
0x14: {  	s1 =	simm.s32 $0xF230;
	s18 =	simm.s32 $0x4;
	[dreg:$0x8] =	wrdreg s14  }
0x15: {  	s7 =	simm.s32 $0x0;
	[dreg:$0x9] =	wrdreg s15;
	s19 =	sadd.s32 s12, s17  }
0x16: {  	s3 =	sadd.s32 s13, s17;
	s0 =	sadd.s32 $0x1A600, s0;
	[dreg:$0xa] =	wrdreg s19  }
0x17: {  	s22 =	sadd.s32 s20, s13;
	s23 =	sadd.s32 s20, s12;
	[dreg:$0xb] =	wrdreg s3  }
0x18: {  	s21 =	sadd.s32 s26, s13;
	s14 =	simm.s32 $0x3;
	[dreg:$0xc] =	wrdreg s0  }
.Ltmp0:
0x19: {  	s15 =	simm.s32 $0x5;
	[dreg:$0xe] =	wrdreg s22;
	(pc) =	sbr.rel .LBB2_1-.Ltmp0, $4  }
0x1a: {  	[dreg:$0xf] =	wrdreg s23;
	s0 =	sshrl.u32 s24, $0x3;
	s22 =	sadd.s32 s26, s12  }
0x1b: {  	s23 =	simm.s32 $0x9;
	s24 =	simm.s32 $0xC350;
	s26 =	simm.s32 $0x7D0  }
0x1c: {  	s3 =	simm.s32 $0xD2F0;
	s19 =	sadd.s32 s0, s13;
	s20 =	sadd.s32 s0, s12  }
0x1d: {  	s0 =	simm.s32 $0x1;
	s12 =	simm.s32 $0xFA00;
	s13 =	simm.s32 $0x1BD50  }
.LBB2_4:
0x1e: {  	_ =	swait.ge [sflag:s18], $0x3E80  }
0x1f: {  	[sflag:s18] =	ssyncset.done $0x0  }
0x20: {  	[sflag:s18] =	ssyncadd.s32 $0xFFFFC180  }
0x21: {  	[spmem:s2] =	stream.indirect.scatter.add.f32 [tilespmem:s13], [sflag:$0x8], $0x8, s12, s26, $0xb8;
	[tilespmem:$0x1FBD0] =	vst v63  }
0x22: {  	_ =	swait.ge [sflag:s9], $0x3E80  }
0x23: {  	[sflag:s9] =	ssyncset.done $0x0  }
0x24: {  	s6 =	simm.s32 $0x7;
	[sflag:s9] =	ssyncadd.s32 $0xFFFFC180  }
0x25: {  	_ =	swait.ge [sflag:s6], $0x3E80  }
0x26: {  	[sflag:s6] =	ssyncset.done $0x0  }
0x27: {  	s16 =	simm.s32 $0x8;
	[sflag:s6] =	ssyncadd.s32 $0xFFFFC180  }
0x28: {  	_ =	swait.ge [sflag:s16], $0x3E80  }
0x29: {  	[sflag:s16] =	ssyncset.done $0x0  }
0x2a: {  	[sflag:s16] =	ssyncadd.s32 $0xFFFFC180  }
0x2b: {  	[bflag:$0x0] =	sbarrier.arrive $0xFFFF  }
0x2c: {  	s16 =	rddreg [dreg:$0x7]  }
0x2d: {  	s17 =	rddreg [dreg:$0xc]  }
0x2e: {  	s7 =	rddreg [dreg:$0x12]  }
0x2f: {  	[hbm:s17], [sflag:s16] =	dma.local [spmem:s7], $0x186A  }
0x30: {  	_ =	swait.ge [sflag:s23], $0x186A  }
0x31: {  	s6 =	rddreg [dreg:$0x11]  }
0x32: {  	s17 =	rddreg [dreg:$0xd];
	s7 =	sadd.s32 $0x1, s6  }
0x33: {  	p0 =	sne.s32 s7, s17  }
.Ltmp1:
0x34: {  	_ = 	snop;
	(pc) =	sbr.rel @!p0 .LBB2_5-.Ltmp1, $3  }
0x35: {  	_ =	sdelay $0x1  }
0x36: {  	[sflag:s23] =	ssyncset.done $0x0  }
0x37: {  	[sflag:s23] =	ssyncadd.s32 $0xFFFFE796  }
.LBB2_1:
0x38: {  	[dreg:$0x11] =	wrdreg s7  }
0x39: {  	s6 =	rddreg [dreg:$0x6]  }
0x3a: {  	s17 =	rddreg [dreg:$0x1];
	s6 =	sshrl.u32 s6, $0x3  }
0x3b: {  	[dreg:$0x12] =	wrdreg s6  }
0x3c: {  	[spmem:s6], [sflag:s16] =	dma.local [hbm:s17], $0x186A  }
0x3d: {  	_ =	swait.ge [sflag:s23], $0x186A  }
0x3e: {  	[sflag:s23] =	ssyncset.done $0x0  }
0x3f: {  	[sflag:s23] =	ssyncadd.s32 $0xFFFFE796  }
0x40: {  	[bflag:$0x0] =	sbarrier.arrive $0xFFFF  }
0x41: {  	s17 =	rddreg [dreg:$0x8]  }
0x42: {  	[tilespmem:s24], [sflag:$0x9] =	stream.linear.gather [hbm4b:s17+s4], $0x7D0, $0x38;
	[tilespmem:$0x1FBD0] =	vst v63  }
0x43: {  	_ =	swait.ge [sflag:s23], $0x7D0  }
0x44: {  	[sflag:s23] =	ssyncset.done $0x0  }
0x45: {  	s7 =	rddreg [dreg:$0x9];
	[sflag:s23] =	ssyncadd.s32 $0xFFFFF830  }
0x46: {  	[tilespmem:s25], [sflag:$0x9] =	stream.linear.gather [hbm4b:s7+s4], $0x7D0, $0x38;
	[tilespmem:$0x1FBD0] =	vst v63  }
0x47: {  	_ =	swait.ge [sflag:s23], $0x7D0  }
0x48: {  	[sflag:s23] =	ssyncset.done $0x0  }
0x49: {  	[sflag:s23] =	ssyncadd.s32 $0xFFFFF830  }
0x4a: {  	[tilespmem:s28], [sflag:$0x1] =	stream.indirect.gather [hbm4b:s5+s26], $0x8, s24, s26, $0xb8;
	[tilespmem:$0x1FBD0] =	vst v63  }
0x4b: {  	s16 =	rddreg [dreg:$0xa]  }
0x4c: {  	[tilespmem:s29], [sflag:$0x9] =	stream.linear.gather [hbm4b:s16+s4], $0x7D0, $0x38;
	[tilespmem:$0x1FBD0] =	vst v63  }
0x4d: {  	_ =	swait.ge [sflag:s23], $0x7D0  }
0x4e: {  	[sflag:s23] =	ssyncset.done $0x0  }
0x4f: {  	s17 =	rddreg [dreg:$0xb];
	[sflag:s23] =	ssyncadd.s32 $0xFFFFF830  }
0x50: {  	[tilespmem:s30], [sflag:$0x9] =	stream.linear.gather [hbm4b:s17+s4], $0x7D0, $0x38;
	[tilespmem:$0x1FBD0] =	vst v63  }
0x51: {  	_ =	swait.ge [sflag:s23], $0x7D0  }
0x52: {  	[sflag:s23] =	ssyncset.done $0x0  }
0x53: {  	s7 =	simm.s32 $0x0;
	s6 =	rddreg [dreg:$0x10];
	[sflag:s23] =	ssyncadd.s32 $0xFFFFF830  }
0x54: {  	[tilespmem:s31], [sflag:$0x2] =	stream.indirect.gather [hbm4b:s5+s26], $0x8, s29, s26, $0xb8;
	[tilespmem:$0x1FBD0] =	vst v63  }
.LBB2_2:
0x55: {  	_ =	swait.ge [sflag:s0], $0x3E80  }
0x56: {  	p0 =	seq.s32 s7, $0x0;
	[sflag:s0] =	ssyncset.done $0x0  }
0x57: {  	s16 =	simm.s32 @!p0 $0x7;
	[sflag:s0] =	ssyncadd.s32 $0xFFFFC180  }
0x58: {  	[spmem:s2] =	stream.indirect.scatter.add.f32 [tilespmem:s28], [sflag:$0x5], $0x8, s25, s26, $0xb8;
	[tilespmem:$0x1FBD0] =	vst v63  }
0x59: {  	_ =	swait.ge @!p0 [sflag:s16], $0x3E80  }
0x5a: {  	[sflag:s16] =	ssyncset.done @!p0 $0x0  }
0x5b: {  	s17 =	sadd.s32 s7, s22;
	[sflag:s16] =	ssyncadd.s32 @!p0 $0xFFFFC180  }
0x5c: {  	[tilespmem:s3], [sflag:$0x9] =	stream.linear.gather [hbm4b:s17+s4], $0x7D0, $0x38;
	[tilespmem:$0x1FBD0] =	vst v63  }
0x5d: {  	_ =	swait.ge [sflag:s23], $0x7D0  }
0x5e: {  	[sflag:s23] =	ssyncset.done $0x0  }
0x5f: {  	s17 =	sadd.s32 s7, s21;
	[sflag:s23] =	ssyncadd.s32 $0xFFFFF830  }
0x60: {  	[tilespmem:s1], [sflag:$0x9] =	stream.linear.gather [hbm4b:s17+s4], $0x7D0, $0x38;
	[tilespmem:$0x1FBD0] =	vst v63  }
0x61: {  	_ =	swait.ge [sflag:s23], $0x7D0  }
0x62: {  	[sflag:s23] =	ssyncset.done $0x0  }
0x63: {  	[sflag:s23] =	ssyncadd.s32 $0xFFFFF830  }
0x64: {  	[tilespmem:s8], [sflag:$0x3] =	stream.indirect.gather [hbm4b:s5+s26], $0x8, s3, s26, $0xb8;
	[tilespmem:$0x1FBD0] =	vst v63  }
0x65: {  	_ =	swait.ge [sflag:s10], $0x3E80  }
0x66: {  	[sflag:s10] =	ssyncset.done $0x0  }
0x67: {  	s16 =	simm.s32 @!p0 $0x8;
	[sflag:s10] =	ssyncadd.s32 $0xFFFFC180  }
0x68: {  	[spmem:s2] =	stream.indirect.scatter.add.f32 [tilespmem:s31], [sflag:$0x6], $0x8, s30, s26, $0xb8;
	[tilespmem:$0x1FBD0] =	vst v63  }
0x69: {  	_ =	swait.ge @!p0 [sflag:s16], $0x3E80  }
0x6a: {  	[sflag:s16] =	ssyncset.done @!p0 $0x0  }
0x6b: {  	s17 =	sadd.s32 s7, s20;
	[sflag:s16] =	ssyncadd.s32 @!p0 $0xFFFFC180  }
0x6c: {  	[tilespmem:s11], [sflag:$0x9] =	stream.linear.gather [hbm4b:s17+s4], $0x7D0, $0x38;
	[tilespmem:$0x1FBD0] =	vst v63  }
0x6d: {  	_ =	swait.ge [sflag:s23], $0x7D0  }
0x6e: {  	[sflag:s23] =	ssyncset.done $0x0  }
0x6f: {  	s17 =	sadd.s32 s7, s19;
	[sflag:s23] =	ssyncadd.s32 $0xFFFFF830  }
0x70: {  	[tilespmem:s12], [sflag:$0x9] =	stream.linear.gather [hbm4b:s17+s4], $0x7D0, $0x38;
	[tilespmem:$0x1FBD0] =	vst v63  }
0x71: {  	_ =	swait.ge [sflag:s23], $0x7D0  }
0x72: {  	[sflag:s23] =	ssyncset.done $0x0  }
0x73: {  	[sflag:s23] =	ssyncadd.s32 $0xFFFFF830  }
0x74: {  	[tilespmem:s13], [sflag:$0x4] =	stream.indirect.gather [hbm4b:s5+s26], $0x8, s11, s26, $0xb8;
	[tilespmem:$0x1FBD0] =	vst v63  }
0x75: {  	_ =	swait.ge [sflag:s14], $0x3E80  }
0x76: {  	p0 =	seq.s32 s7, $0x5DC0;
	[sflag:s14] =	ssyncset.done $0x0  }
.Ltmp2:
0x77: {  	[sflag:s14] =	ssyncadd.s32 $0xFFFFC180;
	(pc) =	sbr.rel @p0 .LBB2_4-.Ltmp2, $4  }
0x78: {  	[spmem:s2] =	stream.indirect.scatter.add.f32 [tilespmem:s8], [sflag:$0x7], $0x8, s1, s26, $0xb8;
	[tilespmem:$0x1FBD0] =	vst v63  }
0x79: {  	_ =	swait.ge [sflag:s15], $0x3E80  }
0x7a: {  	[sflag:s15] =	ssyncset.done $0x0  }
0x7b: {  	[sflag:s15] =	ssyncadd.s32 $0xFFFFC180  }
0x7c: {  	s16 =	sshrl.u32 s6, $0x3;
	s17 =	rddreg [dreg:$0x4]  }
0x7d: {  	s17 =	sadd.s32 s17, s16  }
0x7e: {  	[tilespmem:s24], [sflag:$0x9] =	stream.linear.gather [hbm4b:s17+s4], $0x7D0, $0x38;
	[tilespmem:$0x1FBD0] =	vst v63  }
0x7f: {  	_ =	swait.ge [sflag:s23], $0x7D0  }
0x80: {  	[sflag:s23] =	ssyncset.done $0x0;
	s17 =	rddreg [dreg:$0x5]  }
0x81: {  	[sflag:s23] =	ssyncadd.s32 $0xFFFFF830;
	s16 =	sadd.s32 s17, s16  }
0x82: {  	[tilespmem:s25], [sflag:$0x9] =	stream.linear.gather [hbm4b:s16+s4], $0x7D0, $0x38;
	[tilespmem:$0x1FBD0] =	vst v63  }
0x83: {  	_ =	swait.ge [sflag:s23], $0x7D0  }
0x84: {  	[sflag:s23] =	ssyncset.done $0x0  }
0x85: {  	[sflag:s23] =	ssyncadd.s32 $0xFFFFF830  }
0x86: {  	[tilespmem:s28], [sflag:$0x1] =	stream.indirect.gather [hbm4b:s5+s26], $0x8, s24, s26, $0xb8;
	[tilespmem:$0x1FBD0] =	vst v63  }
0x87: {  	_ =	swait.ge [sflag:s18], $0x3E80  }
0x88: {  	[sflag:s18] =	ssyncset.done $0x0  }
0x89: {  	[sflag:s18] =	ssyncadd.s32 $0xFFFFC180  }
0x8a: {  	[spmem:s2] =	stream.indirect.scatter.add.f32 [tilespmem:s13], [sflag:$0x8], $0x8, s12, s26, $0xb8;
	[tilespmem:$0x1FBD0] =	vst v63  }
0x8b: {  	_ =	swait.ge [sflag:s9], $0x3E80  }
0x8c: {  	[sflag:s9] =	ssyncset.done $0x0;
	s17 =	rddreg [dreg:$0xf]  }
0x8d: {  	[sflag:s9] =	ssyncadd.s32 $0xFFFFC180;
	s16 =	sadd.s32 s7, s17  }
0x8e: {  	[tilespmem:s29], [sflag:$0x9] =	stream.linear.gather [hbm4b:s16+s4], $0x7D0, $0x38;
	[tilespmem:$0x1FBD0] =	vst v63  }
0x8f: {  	_ =	swait.ge [sflag:s23], $0x7D0  }
0x90: {  	[sflag:s23] =	ssyncset.done $0x0;
	s17 =	rddreg [dreg:$0xe]  }
0x91: {  	[sflag:s23] =	ssyncadd.s32 $0xFFFFF830;
	s16 =	sadd.s32 s7, s17  }
0x92: {  	[tilespmem:s30], [sflag:$0x9] =	stream.linear.gather [hbm4b:s16+s4], $0x7D0, $0x38;
	[tilespmem:$0x1FBD0] =	vst v63  }
.Ltmp3:
0x93: {  	_ = 	snop;
	(pc) =	sbr.rel .LBB2_2-.Ltmp3, $4  }
0x94: {  	_ =	swait.ge [sflag:s23], $0x7D0  }
0x95: {  	[sflag:s23] =	ssyncset.done $0x0  }
0x96: {  	s6 =	sadd.s32 $0x1F40, s6;
	s7 =	sadd.s32 $0x3E8, s7;
	[sflag:s23] =	ssyncadd.s32 $0xFFFFF830  }
0x97: {  	[tilespmem:s31], [sflag:$0x2] =	stream.indirect.gather [hbm4b:s5+s26], $0x8, s29, s26, $0xb8;
	[tilespmem:$0x1FBD0] =	vst v63  }
.LBB2_5:
0x98: {  	_ =	sfence.sel $0x180000  }
0x99: {  	[bflag:$0x0] =	sbarrier.arrive $0xFFFF  }
0x9a: {  	_ =	strace $0x9000004A  }
0x9b: {  	s0 =	stileid.u32;
	[bflag:$0x2] =	sbarrier.arrive $0xFFFF  }
0x9c: {  	p0 =	sne.s32 s0, $0x0;
	s0 =	rddreg [dreg:$0x3]  }
0x9d: {  	s0 =	sadd.s32 @!p0 $0x100000, s0  }
0x9e: {  	[sflag:s0] =	ssyncadd.tile.s32 @!p0 $0x1;
	_ =	shalt  }
.Lfunc_end2:
_tile_overlayer_lowered:
.L_overlay_start_2:
0x9f: {  	(tag) =	ssettag $0x2  }
0xa0: {  	s0 =	rddreg [dreg:$0x0];
	s2 =	stileid.u32  }
0xa1: {  	s1 =	rddreg [dreg:$0x1];
	p0 =	sne.s32 s2, $0x0  }
0xa2: {  	s3 =	rddreg [dreg:$0x2];
	[bflag:$0x3] =	sbarrier.arrive $0xFFFF;
	s2 =	simm.s32 @!p0 $0x1C09  }
0xa3: {  	[timem:s3], [sflag:s2] =	dma.local @!p0 [hbm:s0], s1  }
0xa4: {  	s0 =	simm.s32 @!p0 $0x9  }
0xa5: {  	_ =	swait.ge @!p0 [sflag:s0], s1  }
0xa6: {  	s1 =	ssub.s32 @!p0 $0x0, s1;
	[sflag:s0] =	ssyncset.done @!p0 $0x0  }
0xa7: {  	[sflag:s0] =	ssyncadd.s32 @!p0 s1  }
0xa8: {  	[bflag:$0x3] =	sbarrier.arrive $0xFFFF  }
0xa9: {  	_ =	shalt  }

</sc_bundles>
